<compile_context>
chip_gen: v7x
topology: tpu7x:2x2x1
jax: 0.10.2.dev20260603
libtpu: 0.0.44.dev20260713+nightly
codegen_flags: <defaults>
</compile_context>

<pallas_src>
import jax
import jax.numpy as jnp
from jax import lax
from jax.experimental import pallas as pl
from jax.experimental.pallas import tpu as pltpu
from jax.experimental.pallas import tpu_sc as plsc

_W = 128
_NC = 2
_NS = 16
_NW = _NC * _NS
_NB = 4


def kernel(x, table):
    n = x.shape[0]
    d = table.shape[1]
    idx = x.reshape(n).astype(jnp.int32)

    n_full = n // _W
    rem = n - n_full * _W
    n_win = n_full + (1 if rem else 0)
    base_wins = n_win // _NW
    extra = n_win % _NW
    wmax = base_wins + (1 if extra else 0)
    per_w = wmax * _W
    c_hi = (base_wins + 1) * _W
    c_lo = base_wins * _W
    last_base = extra + base_wins * (_NW - 1)
    last_cnt = n - last_base * _W
    supersteps = -(-wmax // _NB)
    assert base_wins - (1 if rem else 0) >= _NB
    if rem:
        assert rem % 8 == 0
    rem_rows = rem if rem else 8

    mesh = plsc.VectorSubcoreMesh(core_axis_name="c", subcore_axis_name="s")

    v = table.shape[0]
    scratch = (
        [pltpu.VMEM_SHARED((v, d), table.dtype)]
        + [pltpu.VMEM((per_w,), jnp.int32)]
        + [pltpu.VMEM((_W, d), table.dtype) for _ in range(_NB)]
        + [pltpu.VMEM((rem_rows, d), table.dtype)]
        + [pltpu.SemaphoreType.DMA for _ in range(2 * _NB)]
    )

    @pl.kernel(
        out_type=jax.ShapeDtypeStruct((n, d), table.dtype),
        mesh=mesh,
        scratch_types=scratch,
    )
    def gather_kernel(table_hbm, idx_hbm, out_hbm, table_sp, idx_v, *rest):
        bufs = rest[:_NB]
        rem_buf = rest[_NB]
        gsems = rest[_NB + 1:2 * _NB + 1]
        wsems = rest[2 * _NB + 1:]
        w = lax.axis_index("s") * _NC + lax.axis_index("c")
        base_mine = base_wins * w + jnp.minimum(w, extra)
        wins_mine = jnp.where(w < extra, base_wins + 1, base_wins)
        full_mine = wins_mine - (
            jnp.where(w == _NW - 1, 1, 0) if rem else 0)

        @pl.when(jnp.logical_and(w < extra, w < _NW - 1))
        def _():
            pltpu.async_copy(idx_hbm.at[pl.ds(base_mine * _W, c_hi)],
                             idx_v.at[pl.ds(0, c_hi)], gsems[0])

        @pl.when(jnp.logical_and(w >= extra, w < _NW - 1))
        def _():
            pltpu.async_copy(idx_hbm.at[pl.ds(base_mine * _W, c_lo)],
                             idx_v.at[pl.ds(0, c_lo)], gsems[0])

        @pl.when(w == _NW - 1)
        def _():
            pltpu.async_copy(
                idx_hbm.at[pl.ds(last_base * _W, last_cnt)],
                idx_v.at[pl.ds(0, last_cnt)],
                gsems[0],
            )

        @pl.when(lax.axis_index("s") == 0)
        def _():
            pltpu.sync_copy(table_hbm, table_sp)

        @pl.when(jnp.logical_and(w < extra, w < _NW - 1))
        def _():
            pltpu.make_async_copy(
                idx_hbm.at[pl.ds(0, c_hi)],
                idx_v.at[pl.ds(0, c_hi)], gsems[0]).wait()

        @pl.when(jnp.logical_and(w >= extra, w < _NW - 1))
        def _():
            pltpu.make_async_copy(
                idx_hbm.at[pl.ds(0, c_lo)],
                idx_v.at[pl.ds(0, c_lo)], gsems[0]).wait()

        @pl.when(w == _NW - 1)
        def _():
            pltpu.make_async_copy(
                idx_hbm.at[pl.ds(0, last_cnt)],
                idx_v.at[pl.ds(0, last_cnt)], gsems[0]).wait()

        plsc.subcore_barrier()

        def issue_gather(j, buf, sem):
            pltpu.async_copy(
                table_sp.at[idx_v.at[pl.ds(j * _W, _W)]], buf, sem)

        def wait_gather(buf, sem):
            pltpu.make_async_copy(out_hbm.at[pl.ds(0, _W)], buf, sem).wait()

        def issue_write(j, buf, sem):
            g = base_mine + j
            pltpu.async_copy(buf, out_hbm.at[pl.ds(g * _W, _W)], sem)

        def wait_write(buf, sem):
            pltpu.make_async_copy(buf, out_hbm.at[pl.ds(0, _W)], sem).wait()

        for i in range(_NB):
            issue_gather(i, bufs[i], gsems[i])
        for i in range(_NB):
            wait_gather(bufs[i], gsems[i])
            issue_write(i, bufs[i], wsems[i])

        @pl.loop(1, supersteps)
        def _(t):
            j_base = _NB * t
            for i in range(_NB):
                @pl.when(j_base + i < full_mine)
                def _(i=i):
                    wait_write(bufs[i], wsems[i])
                    issue_gather(j_base + i, bufs[i], gsems[i])
            for i in range(_NB):
                @pl.when(j_base + i < full_mine)
                def _(i=i):
                    wait_gather(bufs[i], gsems[i])
                    issue_write(j_base + i, bufs[i], wsems[i])

        for i in range(_NB):
            wait_write(bufs[i], wsems[i])

        if rem:
            @pl.when(w == _NW - 1)
            def _():
                lo = last_cnt - rem
                pltpu.async_copy(
                    table_sp.at[idx_v.at[pl.ds(lo, rem)]], rem_buf,
                    gsems[0]).wait()
                pltpu.sync_copy(
                    rem_buf, out_hbm.at[pl.ds(n_full * _W, rem)])

    return gather_kernel(table, idx)

# --- scband reference (transcript-rebuilt; emitter-appended) ---
"""Pipeline reference for scband-type-dict-node-encoder-7859790152321 (READ-ONLY COPY).

The authoritative reference and input builder live on the scoring server;
editing this copy changes nothing except your own understanding.
"""

import jax, jax.numpy as jnp
import numpy as np

N_NODES = 100000
NUM_TYPES = 1000
EMB_DIM = 128


def setup_inputs(seed: int = 0) -> dict:
    key = jax.random.key(seed)
    k1, k2 = jax.random.split(key)
    x = jax.random.randint(k1, (N_NODES, 1), 0, NUM_TYPES)
    table = jax.random.normal(k2, (NUM_TYPES, EMB_DIM), dtype=jnp.float32) * 0.02
    return {"x": x, "table": table}


def reference(x, table):
    # TypeDictNodeEncoder.forward: batch.x = self.encoder(batch.x[:, 0])
    idx = x[:, 0]
    out = jnp.take(table, idx, axis=0)
    return out

if __name__ == "__main__":
    import jax
    _d = setup_inputs()
    print(jax.jit(kernel)(*tuple(_d.values())))

</pallas_src>

<mosaic_0001>
#map = affine_map<(d0, d1) -> (0, 0)>
#map1 = affine_map<(d0, d1) -> (0)>
module attributes {stable_mosaic.version = 14 : i64} {
  func.func @gather_kernel(%arg0: i32, %arg1: i32, %arg2: memref<1000x128xf32, #tpu.memory_space<hbm>>, %arg3: memref<100000xi32, #tpu.memory_space<hbm>>, %arg4: memref<100000x128xf32, #tpu.memory_space<hbm>>, %arg5: memref<1000x128xf32, #tpu.memory_space<vmem_shared>>, %arg6: memref<3200xi32, #tpu.memory_space<vmem>>, %arg7: memref<128x128xf32, #tpu.memory_space<vmem>>, %arg8: memref<128x128xf32, #tpu.memory_space<vmem>>, %arg9: memref<128x128xf32, #tpu.memory_space<vmem>>, %arg10: memref<128x128xf32, #tpu.memory_space<vmem>>, %arg11: memref<32x128xf32, #tpu.memory_space<vmem>>, %arg12: memref<!tpu.dma_semaphore, #tpu.memory_space<semaphore_mem>>, %arg13: memref<!tpu.dma_semaphore, #tpu.memory_space<semaphore_mem>>, %arg14: memref<!tpu.dma_semaphore, #tpu.memory_space<semaphore_mem>>, %arg15: memref<!tpu.dma_semaphore, #tpu.memory_space<semaphore_mem>>, %arg16: memref<!tpu.dma_semaphore, #tpu.memory_space<semaphore_mem>>, %arg17: memref<!tpu.dma_semaphore, #tpu.memory_space<semaphore_mem>>, %arg18: memref<!tpu.dma_semaphore, #tpu.memory_space<semaphore_mem>>, %arg19: memref<!tpu.dma_semaphore, #tpu.memory_space<semaphore_mem>>) attributes {dimension_semantics = [#tpu.dimension_semantics<core_parallel>, #tpu.dimension_semantics<subcore_parallel>], iteration_bounds = array<i64: 2, 16>, scalar_prefetch = 0 : i64, scratch_operands = 15 : i64, tpu.core_type = #tpu.core_type<sc_vector_subcore>, window_params = [{transform_indices = #map}, {transform_indices = #map1}, {transform_indices = #map}]} {
    %mul3A = arith.constant 2 : i32
    %mul3A_0 = arith.muli %arg1, %mul3A : i32
    %add3A = arith.addi %mul3A_0, %arg0 : i32
    %mul3A_1 = arith.constant 24 : i32
    %mul3A_2 = arith.muli %mul3A_1, %add3A : i32
    %min3A = arith.constant 14 : i32
    %min3A_3 = arith.minsi %add3A, %min3A : i32
    %add3A_4 = arith.addi %mul3A_2, %min3A_3 : i32
    %lt3A = arith.constant 14 : i32
    %lt3A_5 = arith.cmpi slt, %add3A, %lt3A : i32
    %jit3A = arith.constant 25 : i32
    %jit3A_6 = arith.constant 24 : i32
    %select_n3A = arith.select %lt3A_5, %jit3A, %jit3A_6 : i32
    %eq3A = arith.constant 31 : i32
    %eq3A_7 = arith.cmpi eq, %add3A, %eq3A : i32
    %jit3A_8 = arith.constant 1 : i32
    %jit3A_9 = arith.constant 0 : i32
    %select_n3A_10 = arith.select %eq3A_7, %jit3A_8, %jit3A_9 : i32
    %sub3A = arith.subi %select_n3A, %select_n3A_10 : i32
    %lt3A_11 = arith.constant 14 : i32
    %lt3A_12 = arith.cmpi slt, %add3A, %lt3A_11 : i32
    %lt3A_13 = arith.constant 31 : i32
    %lt3A_14 = arith.cmpi slt, %add3A, %lt3A_13 : i32
    %and3A = arith.andi %lt3A_12, %lt3A_14 : i1
    %convert_element_type3A = arith.extui %and3A : i1 to i32
    %cond3A = arith.constant 0 : i32
    %cond3A_15 = arith.cmpi ne, %convert_element_type3A, %cond3A : i32
    scf.if %cond3A_15 {
      %mul3A_161 = arith.constant 128 : i32
      %mul3A_162 = arith.muli %add3A_4, %mul3A_161 : i32
      %dma_start3A_163 = arith.constant 0 : i32
      %dma_start3A_164 = tpu.memref_slice %arg6[%dma_start3A_163] : memref<3200xi32, #tpu.memory_space<vmem>> -> memref<3200xi32, #tpu.memory_space<vmem>>
      %dma_start3A_165 = tpu.memref_slice %arg3[%mul3A_162] : memref<100000xi32, #tpu.memory_space<hbm>> -> memref<3200xi32, #tpu.memory_space<hbm>>
      %dma_start3A_166 = arith.constant 0 : i32
      %dma_start3A_167 = tpu.memref_slice %arg6[%dma_start3A_166] : memref<3200xi32, #tpu.memory_space<vmem>> -> memref<3200xi32, #tpu.memory_space<vmem>>
      %dma_start3A_168 = tpu.memref_slice %arg3[%mul3A_162] : memref<100000xi32, #tpu.memory_space<hbm>> -> memref<3200xi32, #tpu.memory_space<hbm>>
      tpu.enqueue_dma source(%dma_start3A_168 : memref<3200xi32, #tpu.memory_space<hbm>>) target(%dma_start3A_167 : memref<3200xi32, #tpu.memory_space<vmem>>) target_semaphore(%arg12 : memref<!tpu.dma_semaphore, #tpu.memory_space<semaphore_mem>>)
    } else {
    }
    %ge3A = arith.constant 14 : i32
    %ge3A_16 = arith.cmpi sge, %add3A, %ge3A : i32
    %lt3A_17 = arith.constant 31 : i32
    %lt3A_18 = arith.cmpi slt, %add3A, %lt3A_17 : i32
    %and3A_19 = arith.andi %ge3A_16, %lt3A_18 : i1
    %convert_element_type3A_20 = arith.extui %and3A_19 : i1 to i32
    %cond3A_21 = arith.constant 0 : i32
    %cond3A_22 = arith.cmpi ne, %convert_element_type3A_20, %cond3A_21 : i32
    scf.if %cond3A_22 {
      %mul3A_161 = arith.constant 128 : i32
      %mul3A_162 = arith.muli %add3A_4, %mul3A_161 : i32
      %dma_start3A_163 = arith.constant 0 : i32
      %dma_start3A_164 = tpu.memref_slice %arg6[%dma_start3A_163] : memref<3200xi32, #tpu.memory_space<vmem>> -> memref<3072xi32, #tpu.memory_space<vmem>>
      %dma_start3A_165 = tpu.memref_slice %arg3[%mul3A_162] : memref<100000xi32, #tpu.memory_space<hbm>> -> memref<3072xi32, #tpu.memory_space<hbm>>
      %dma_start3A_166 = arith.constant 0 : i32
      %dma_start3A_167 = tpu.memref_slice %arg6[%dma_start3A_166] : memref<3200xi32, #tpu.memory_space<vmem>> -> memref<3072xi32, #tpu.memory_space<vmem>>
      %dma_start3A_168 = tpu.memref_slice %arg3[%mul3A_162] : memref<100000xi32, #tpu.memory_space<hbm>> -> memref<3072xi32, #tpu.memory_space<hbm>>
      tpu.enqueue_dma source(%dma_start3A_168 : memref<3072xi32, #tpu.memory_space<hbm>>) target(%dma_start3A_167 : memref<3072xi32, #tpu.memory_space<vmem>>) target_semaphore(%arg12 : memref<!tpu.dma_semaphore, #tpu.memory_space<semaphore_mem>>)
    } else {
    }
    %eq3A_23 = arith.constant 31 : i32
    %eq3A_24 = arith.cmpi eq, %add3A, %eq3A_23 : i32
    %convert_element_type3A_25 = arith.extui %eq3A_24 : i1 to i32
    %cond3A_26 = arith.constant 0 : i32
    %cond3A_27 = arith.cmpi ne, %convert_element_type3A_25, %cond3A_26 : i32
    scf.if %cond3A_27 {
      %dma_start3A_161 = arith.constant 0 : i32
      %dma_start3A_162 = tpu.memref_slice %arg6[%dma_start3A_161] : memref<3200xi32, #tpu.memory_space<vmem>> -> memref<2976xi32, #tpu.memory_space<vmem>>
      %dma_start3A_163 = arith.constant 97024 : i32
      %dma_start3A_164 = tpu.memref_slice %arg3[%dma_start3A_163] : memref<100000xi32, #tpu.memory_space<hbm>> -> memref<2976xi32, #tpu.memory_space<hbm>>
      %dma_start3A_165 = arith.constant 0 : i32
      %dma_start3A_166 = tpu.memref_slice %arg6[%dma_start3A_165] : memref<3200xi32, #tpu.memory_space<vmem>> -> memref<2976xi32, #tpu.memory_space<vmem>>
      %dma_start3A_167 = arith.constant 97024 : i32
      %dma_start3A_168 = tpu.memref_slice %arg3[%dma_start3A_167] : memref<100000xi32, #tpu.memory_space<hbm>> -> memref<2976xi32, #tpu.memory_space<hbm>>
      tpu.enqueue_dma source(%dma_start3A_168 : memref<2976xi32, #tpu.memory_space<hbm>>) target(%dma_start3A_166 : memref<2976xi32, #tpu.memory_space<vmem>>) target_semaphore(%arg12 : memref<!tpu.dma_semaphore, #tpu.memory_space<semaphore_mem>>)
    } else {
    }
    %eq3A_28 = arith.constant 0 : i32
    %eq3A_29 = arith.cmpi eq, %arg1, %eq3A_28 : i32
    %convert_element_type3A_30 = arith.extui %eq3A_29 : i1 to i32
    %cond3A_31 = arith.constant 0 : i32
    %cond3A_32 = arith.cmpi ne, %convert_element_type3A_30, %cond3A_31 : i32
    scf.if %cond3A_32 {
      "tpu.region"() ({
        %run_scoped3A = tpu.sem_alloc : memref<!tpu.dma_semaphore, #tpu.memory_space<semaphore_mem>>
        tpu.enqueue_dma source(%arg2 : memref<1000x128xf32, #tpu.memory_space<hbm>>) target(%arg5 : memref<1000x128xf32, #tpu.memory_space<vmem_shared>>) target_semaphore(%run_scoped3A : memref<!tpu.dma_semaphore, #tpu.memory_space<semaphore_mem>>)
        tpu.wait_dma2 semaphore(%run_scoped3A : memref<!tpu.dma_semaphore, #tpu.memory_space<semaphore_mem>>) src(%arg2 : memref<1000x128xf32, #tpu.memory_space<hbm>>) dst(%arg5 : memref<1000x128xf32, #tpu.memory_space<vmem_shared>>)
        tpu.yield
      }) : () -> ()
    } else {
    }
    %lt3A_33 = arith.constant 14 : i32
    %lt3A_34 = arith.cmpi slt, %add3A, %lt3A_33 : i32
    %lt3A_35 = arith.constant 31 : i32
    %lt3A_36 = arith.cmpi slt, %add3A, %lt3A_35 : i32
    %and3A_37 = arith.andi %lt3A_34, %lt3A_36 : i1
    %convert_element_type3A_38 = arith.extui %and3A_37 : i1 to i32
    %cond3A_39 = arith.constant 0 : i32
    %cond3A_40 = arith.cmpi ne, %convert_element_type3A_38, %cond3A_39 : i32
    scf.if %cond3A_40 {
      %dma_wait3A_161 = arith.constant 0 : i32
      %dma_wait3A_162 = tpu.memref_slice %arg6[%dma_wait3A_161] : memref<3200xi32, #tpu.memory_space<vmem>> -> memref<3200xi32, #tpu.memory_space<vmem>>
      %dma_wait3A_163 = arith.constant 0 : i32
      %dma_wait3A_164 = tpu.memref_slice %arg3[%dma_wait3A_163] : memref<100000xi32, #tpu.memory_space<hbm>> -> memref<3200xi32, #tpu.memory_space<hbm>>
      %dma_wait3A_165 = arith.constant 0 : i32
      %dma_wait3A_166 = tpu.memref_slice %arg6[%dma_wait3A_165] : memref<3200xi32, #tpu.memory_space<vmem>> -> memref<3200xi32, #tpu.memory_space<vmem>>
      %dma_wait3A_167 = arith.constant 0 : i32
      %dma_wait3A_168 = tpu.memref_slice %arg3[%dma_wait3A_167] : memref<100000xi32, #tpu.memory_space<hbm>> -> memref<3200xi32, #tpu.memory_space<hbm>>
      tpu.wait_dma2 semaphore(%arg12 : memref<!tpu.dma_semaphore, #tpu.memory_space<semaphore_mem>>) src(%dma_wait3A_168 : memref<3200xi32, #tpu.memory_space<hbm>>) dst(%dma_wait3A_166 : memref<3200xi32, #tpu.memory_space<vmem>>)
    } else {
    }
    %ge3A_41 = arith.constant 14 : i32
    %ge3A_42 = arith.cmpi sge, %add3A, %ge3A_41 : i32
    %lt3A_43 = arith.constant 31 : i32
    %lt3A_44 = arith.cmpi slt, %add3A, %lt3A_43 : i32
    %and3A_45 = arith.andi %ge3A_42, %lt3A_44 : i1
    %convert_element_type3A_46 = arith.extui %and3A_45 : i1 to i32
    %cond3A_47 = arith.constant 0 : i32
    %cond3A_48 = arith.cmpi ne, %convert_element_type3A_46, %cond3A_47 : i32
    scf.if %cond3A_48 {
      %dma_wait3A_161 = arith.constant 0 : i32
      %dma_wait3A_162 = tpu.memref_slice %arg6[%dma_wait3A_161] : memref<3200xi32, #tpu.memory_space<vmem>> -> memref<3072xi32, #tpu.memory_space<vmem>>
      %dma_wait3A_163 = arith.constant 0 : i32
      %dma_wait3A_164 = tpu.memref_slice %arg3[%dma_wait3A_163] : memref<100000xi32, #tpu.memory_space<hbm>> -> memref<3072xi32, #tpu.memory_space<hbm>>
      %dma_wait3A_165 = arith.constant 0 : i32
      %dma_wait3A_166 = tpu.memref_slice %arg6[%dma_wait3A_165] : memref<3200xi32, #tpu.memory_space<vmem>> -> memref<3072xi32, #tpu.memory_space<vmem>>
      %dma_wait3A_167 = arith.constant 0 : i32
      %dma_wait3A_168 = tpu.memref_slice %arg3[%dma_wait3A_167] : memref<100000xi32, #tpu.memory_space<hbm>> -> memref<3072xi32, #tpu.memory_space<hbm>>
      tpu.wait_dma2 semaphore(%arg12 : memref<!tpu.dma_semaphore, #tpu.memory_space<semaphore_mem>>) src(%dma_wait3A_168 : memref<3072xi32, #tpu.memory_space<hbm>>) dst(%dma_wait3A_166 : memref<3072xi32, #tpu.memory_space<vmem>>)
    } else {
    }
    %eq3A_49 = arith.constant 31 : i32
    %eq3A_50 = arith.cmpi eq, %add3A, %eq3A_49 : i32
    %convert_element_type3A_51 = arith.extui %eq3A_50 : i1 to i32
    %cond3A_52 = arith.constant 0 : i32
    %cond3A_53 = arith.cmpi ne, %convert_element_type3A_51, %cond3A_52 : i32
    scf.if %cond3A_53 {
      %dma_wait3A_161 = arith.constant 0 : i32
      %dma_wait3A_162 = tpu.memref_slice %arg6[%dma_wait3A_161] : memref<3200xi32, #tpu.memory_space<vmem>> -> memref<2976xi32, #tpu.memory_space<vmem>>
      %dma_wait3A_163 = arith.constant 0 : i32
      %dma_wait3A_164 = tpu.memref_slice %arg3[%dma_wait3A_163] : memref<100000xi32, #tpu.memory_space<hbm>> -> memref<2976xi32, #tpu.memory_space<hbm>>
      %dma_wait3A_165 = arith.constant 0 : i32
      %dma_wait3A_166 = tpu.memref_slice %arg6[%dma_wait3A_165] : memref<3200xi32, #tpu.memory_space<vmem>> -> memref<2976xi32, #tpu.memory_space<vmem>>
      %dma_wait3A_167 = arith.constant 0 : i32
      %dma_wait3A_168 = tpu.memref_slice %arg3[%dma_wait3A_167] : memref<100000xi32, #tpu.memory_space<hbm>> -> memref<2976xi32, #tpu.memory_space<hbm>>
      tpu.wait_dma2 semaphore(%arg12 : memref<!tpu.dma_semaphore, #tpu.memory_space<semaphore_mem>>) src(%dma_wait3A_168 : memref<2976xi32, #tpu.memory_space<hbm>>) dst(%dma_wait3A_166 : memref<2976xi32, #tpu.memory_space<vmem>>)
    } else {
    }
    %barrier3A = arith.constant 0 : index
    tpu.barrier barrier_id(%barrier3A)
    %dma_start3A = arith.constant 0 : i32
    %dma_start3A_54 = tpu.memref_slice %arg6[%dma_start3A] : memref<3200xi32, #tpu.memory_space<vmem>> -> memref<128xi32, #tpu.memory_space<vmem>>
    %dma_start3A_55 = arith.constant 0 : i32
    %dma_start3A_56 = arith.constant 0 : i32
    %dma_start3A_57 = tpu.memref_slice %arg5[%dma_start3A_55, %dma_start3A_56] : memref<1000x128xf32, #tpu.memory_space<vmem_shared>> -> memref<1000x128xf32, #tpu.memory_space<vmem_shared>>
    tpu.enqueue_indirect_dma source(%dma_start3A_57 : memref<1000x128xf32, #tpu.memory_space<vmem_shared>>) target(%arg7 : memref<128x128xf32, #tpu.memory_space<vmem>>) offsets(%dma_start3A_54 : memref<128xi32, #tpu.memory_space<vmem>>) semaphore(%arg12 : memref<!tpu.dma_semaphore, #tpu.memory_space<semaphore_mem>>)
    %dma_start3A_58 = arith.constant 128 : i32
    %dma_start3A_59 = tpu.memref_slice %arg6[%dma_start3A_58] : memref<3200xi32, #tpu.memory_space<vmem>> -> memref<128xi32, #tpu.memory_space<vmem>>
    %dma_start3A_60 = arith.constant 0 : i32
    %dma_start3A_61 = arith.constant 0 : i32
    %dma_start3A_62 = tpu.memref_slice %arg5[%dma_start3A_60, %dma_start3A_61] : memref<1000x128xf32, #tpu.memory_space<vmem_shared>> -> memref<1000x128xf32, #tpu.memory_space<vmem_shared>>
    tpu.enqueue_indirect_dma source(%dma_start3A_62 : memref<1000x128xf32, #tpu.memory_space<vmem_shared>>) target(%arg8 : memref<128x128xf32, #tpu.memory_space<vmem>>) offsets(%dma_start3A_59 : memref<128xi32, #tpu.memory_space<vmem>>) semaphore(%arg13 : memref<!tpu.dma_semaphore, #tpu.memory_space<semaphore_mem>>)
    %dma_start3A_63 = arith.constant 256 : i32
    %dma_start3A_64 = tpu.memref_slice %arg6[%dma_start3A_63] : memref<3200xi32, #tpu.memory_space<vmem>> -> memref<128xi32, #tpu.memory_space<vmem>>
    %dma_start3A_65 = arith.constant 0 : i32
    %dma_start3A_66 = arith.constant 0 : i32
    %dma_start3A_67 = tpu.memref_slice %arg5[%dma_start3A_65, %dma_start3A_66] : memref<1000x128xf32, #tpu.memory_space<vmem_shared>> -> memref<1000x128xf32, #tpu.memory_space<vmem_shared>>
    tpu.enqueue_indirect_dma source(%dma_start3A_67 : memref<1000x128xf32, #tpu.memory_space<vmem_shared>>) target(%arg9 : memref<128x128xf32, #tpu.memory_space<vmem>>) offsets(%dma_start3A_64 : memref<128xi32, #tpu.memory_space<vmem>>) semaphore(%arg14 : memref<!tpu.dma_semaphore, #tpu.memory_space<semaphore_mem>>)
    %dma_start3A_68 = arith.constant 384 : i32
    %dma_start3A_69 = tpu.memref_slice %arg6[%dma_start3A_68] : memref<3200xi32, #tpu.memory_space<vmem>> -> memref<128xi32, #tpu.memory_space<vmem>>
    %dma_start3A_70 = arith.constant 0 : i32
    %dma_start3A_71 = arith.constant 0 : i32
    %dma_start3A_72 = tpu.memref_slice %arg5[%dma_start3A_70, %dma_start3A_71] : memref<1000x128xf32, #tpu.memory_space<vmem_shared>> -> memref<1000x128xf32, #tpu.memory_space<vmem_shared>>
    tpu.enqueue_indirect_dma source(%dma_start3A_72 : memref<1000x128xf32, #tpu.memory_space<vmem_shared>>) target(%arg10 : memref<128x128xf32, #tpu.memory_space<vmem>>) offsets(%dma_start3A_69 : memref<128xi32, #tpu.memory_space<vmem>>) semaphore(%arg15 : memref<!tpu.dma_semaphore, #tpu.memory_space<semaphore_mem>>)
    %dma_wait3A = arith.constant 0 : i32
    %dma_wait3A_73 = arith.constant 0 : i32
    %dma_wait3A_74 = tpu.memref_slice %arg4[%dma_wait3A, %dma_wait3A_73] : memref<100000x128xf32, #tpu.memory_space<hbm>> -> memref<128x128xf32, #tpu.memory_space<hbm>>
    %dma_wait3A_75 = arith.constant 0 : i32
    %dma_wait3A_76 = arith.constant 0 : i32
    %dma_wait3A_77 = tpu.memref_slice %arg4[%dma_wait3A_75, %dma_wait3A_76] : memref<100000x128xf32, #tpu.memory_space<hbm>> -> memref<128x128xf32, #tpu.memory_space<hbm>>
    tpu.wait_dma2 semaphore(%arg12 : memref<!tpu.dma_semaphore, #tpu.memory_space<semaphore_mem>>) src(%dma_wait3A_77 : memref<128x128xf32, #tpu.memory_space<hbm>>) dst(%arg7 : memref<128x128xf32, #tpu.memory_space<vmem>>)
    %add3A_78 = arith.constant 0 : i32
    %add3A_79 = arith.addi %add3A_4, %add3A_78 : i32
    %mul3A_80 = arith.constant 128 : i32
    %mul3A_81 = arith.muli %add3A_79, %mul3A_80 : i32
    %dma_start3A_82 = arith.constant 0 : i32
    %dma_start3A_83 = tpu.memref_slice %arg4[%mul3A_81, %dma_start3A_82] : memref<100000x128xf32, #tpu.memory_space<hbm>> -> memref<128x128xf32, #tpu.memory_space<hbm>>
    %dma_start3A_84 = arith.constant 0 : i32
    %dma_start3A_85 = tpu.memref_slice %arg4[%mul3A_81, %dma_start3A_84] : memref<100000x128xf32, #tpu.memory_space<hbm>> -> memref<128x128xf32, #tpu.memory_space<hbm>>
    tpu.enqueue_dma source(%arg7 : memref<128x128xf32, #tpu.memory_space<vmem>>) target(%dma_start3A_85 : memref<128x128xf32, #tpu.memory_space<hbm>>) target_semaphore(%arg16 : memref<!tpu.dma_semaphore, #tpu.memory_space<semaphore_mem>>)
    %dma_wait3A_86 = arith.constant 0 : i32
    %dma_wait3A_87 = arith.constant 0 : i32
    %dma_wait3A_88 = tpu.memref_slice %arg4[%dma_wait3A_86, %dma_wait3A_87] : memref<100000x128xf32, #tpu.memory_space<hbm>> -> memref<128x128xf32, #tpu.memory_space<hbm>>
    %dma_wait3A_89 = arith.constant 0 : i32
    %dma_wait3A_90 = arith.constant 0 : i32
    %dma_wait3A_91 = tpu.memref_slice %arg4[%dma_wait3A_89, %dma_wait3A_90] : memref<100000x128xf32, #tpu.memory_space<hbm>> -> memref<128x128xf32, #tpu.memory_space<hbm>>
    tpu.wait_dma2 semaphore(%arg13 : memref<!tpu.dma_semaphore, #tpu.memory_space<semaphore_mem>>) src(%dma_wait3A_91 : memref<128x128xf32, #tpu.memory_space<hbm>>) dst(%arg8 : memref<128x128xf32, #tpu.memory_space<vmem>>)
    %add3A_92 = arith.constant 1 : i32
    %add3A_93 = arith.addi %add3A_4, %add3A_92 : i32
    %mul3A_94 = arith.constant 128 : i32
    %mul3A_95 = arith.muli %add3A_93, %mul3A_94 : i32
    %dma_start3A_96 = arith.constant 0 : i32
    %dma_start3A_97 = tpu.memref_slice %arg4[%mul3A_95, %dma_start3A_96] : memref<100000x128xf32, #tpu.memory_space<hbm>> -> memref<128x128xf32, #tpu.memory_space<hbm>>
    %dma_start3A_98 = arith.constant 0 : i32
    %dma_start3A_99 = tpu.memref_slice %arg4[%mul3A_95, %dma_start3A_98] : memref<100000x128xf32, #tpu.memory_space<hbm>> -> memref<128x128xf32, #tpu.memory_space<hbm>>
    tpu.enqueue_dma source(%arg8 : memref<128x128xf32, #tpu.memory_space<vmem>>) target(%dma_start3A_99 : memref<128x128xf32, #tpu.memory_space<hbm>>) target_semaphore(%arg17 : memref<!tpu.dma_semaphore, #tpu.memory_space<semaphore_mem>>)
    %dma_wait3A_100 = arith.constant 0 : i32
    %dma_wait3A_101 = arith.constant 0 : i32
    %dma_wait3A_102 = tpu.memref_slice %arg4[%dma_wait3A_100, %dma_wait3A_101] : memref<100000x128xf32, #tpu.memory_space<hbm>> -> memref<128x128xf32, #tpu.memory_space<hbm>>
    %dma_wait3A_103 = arith.constant 0 : i32
    %dma_wait3A_104 = arith.constant 0 : i32
    %dma_wait3A_105 = tpu.memref_slice %arg4[%dma_wait3A_103, %dma_wait3A_104] : memref<100000x128xf32, #tpu.memory_space<hbm>> -> memref<128x128xf32, #tpu.memory_space<hbm>>
    tpu.wait_dma2 semaphore(%arg14 : memref<!tpu.dma_semaphore, #tpu.memory_space<semaphore_mem>>) src(%dma_wait3A_105 : memref<128x128xf32, #tpu.memory_space<hbm>>) dst(%arg9 : memref<128x128xf32, #tpu.memory_space<vmem>>)
    %add3A_106 = arith.constant 2 : i32
    %add3A_107 = arith.addi %add3A_4, %add3A_106 : i32
    %mul3A_108 = arith.constant 128 : i32
    %mul3A_109 = arith.muli %add3A_107, %mul3A_108 : i32
    %dma_start3A_110 = arith.constant 0 : i32
    %dma_start3A_111 = tpu.memref_slice %arg4[%mul3A_109, %dma_start3A_110] : memref<100000x128xf32, #tpu.memory_space<hbm>> -> memref<128x128xf32, #tpu.memory_space<hbm>>
    %dma_start3A_112 = arith.constant 0 : i32
    %dma_start3A_113 = tpu.memref_slice %arg4[%mul3A_109, %dma_start3A_112] : memref<100000x128xf32, #tpu.memory_space<hbm>> -> memref<128x128xf32, #tpu.memory_space<hbm>>
    tpu.enqueue_dma source(%arg9 : memref<128x128xf32, #tpu.memory_space<vmem>>) target(%dma_start3A_113 : memref<128x128xf32, #tpu.memory_space<hbm>>) target_semaphore(%arg18 : memref<!tpu.dma_semaphore, #tpu.memory_space<semaphore_mem>>)
    %dma_wait3A_114 = arith.constant 0 : i32
    %dma_wait3A_115 = arith.constant 0 : i32
    %dma_wait3A_116 = tpu.memref_slice %arg4[%dma_wait3A_114, %dma_wait3A_115] : memref<100000x128xf32, #tpu.memory_space<hbm>> -> memref<128x128xf32, #tpu.memory_space<hbm>>
    %dma_wait3A_117 = arith.constant 0 : i32
    %dma_wait3A_118 = arith.constant 0 : i32
    %dma_wait3A_119 = tpu.memref_slice %arg4[%dma_wait3A_117, %dma_wait3A_118] : memref<100000x128xf32, #tpu.memory_space<hbm>> -> memref<128x128xf32, #tpu.memory_space<hbm>>
    tpu.wait_dma2 semaphore(%arg15 : memref<!tpu.dma_semaphore, #tpu.memory_space<semaphore_mem>>) src(%dma_wait3A_119 : memref<128x128xf32, #tpu.memory_space<hbm>>) dst(%arg10 : memref<128x128xf32, #tpu.memory_space<vmem>>)
    %add3A_120 = arith.constant 3 : i32
    %add3A_121 = arith.addi %add3A_4, %add3A_120 : i32
    %mul3A_122 = arith.constant 128 : i32
    %mul3A_123 = arith.muli %add3A_121, %mul3A_122 : i32
    %dma_start3A_124 = arith.constant 0 : i32
    %dma_start3A_125 = tpu.memref_slice %arg4[%mul3A_123, %dma_start3A_124] : memref<100000x128xf32, #tpu.memory_space<hbm>> -> memref<128x128xf32, #tpu.memory_space<hbm>>
    %dma_start3A_126 = arith.constant 0 : i32
    %dma_start3A_127 = tpu.memref_slice %arg4[%mul3A_123, %dma_start3A_126] : memref<100000x128xf32, #tpu.memory_space<hbm>> -> memref<128x128xf32, #tpu.memory_space<hbm>>
    tpu.enqueue_dma source(%arg10 : memref<128x128xf32, #tpu.memory_space<vmem>>) target(%dma_start3A_127 : memref<128x128xf32, #tpu.memory_space<hbm>>) target_semaphore(%arg19 : memref<!tpu.dma_semaphore, #tpu.memory_space<semaphore_mem>>)
    %scan3A = arith.constant 0 : i32
    %scan3A_128 = arith.constant 6 : i32
    %scan3A_129 = arith.addi %scan3A, %scan3A_128 : i32
    %scan3A_130 = arith.constant 1 : i32
    scf.for %scan3A_161 = %scan3A to %scan3A_129 step %scan3A_130  : i32 {
      %mul3A_162 = arith.constant 1 : i32
      %mul3A_163 = arith.muli %scan3A_161, %mul3A_162 : i32
      %add3A_164 = arith.constant 1 : i32
      %add3A_165 = arith.addi %add3A_164, %mul3A_163 : i32
      %mul3A_166 = arith.constant 4 : i32
      %mul3A_167 = arith.muli %mul3A_166, %add3A_165 : i32
      %add3A_168 = arith.constant 0 : i32
      %add3A_169 = arith.addi %mul3A_167, %add3A_168 : i32
      %lt3A_170 = arith.cmpi slt, %add3A_169, %sub3A : i32
      %convert_element_type3A_171 = arith.extui %lt3A_170 : i1 to i32
      %cond3A_172 = arith.constant 0 : i32
      %cond3A_173 = arith.cmpi ne, %convert_element_type3A_171, %cond3A_172 : i32
      scf.if %cond3A_173 {
        %dma_wait3A_216 = arith.constant 0 : i32
        %dma_wait3A_217 = arith.constant 0 : i32
        %dma_wait3A_218 = tpu.memref_slice %arg4[%dma_wait3A_216, %dma_wait3A_217] : memref<100000x128xf32, #tpu.memory_space<hbm>> -> memref<128x128xf32, #tpu.memory_space<hbm>>
        %dma_wait3A_219 = arith.constant 0 : i32
        %dma_wait3A_220 = arith.constant 0 : i32
        %dma_wait3A_221 = tpu.memref_slice %arg4[%dma_wait3A_219, %dma_wait3A_220] : memref<100000x128xf32, #tpu.memory_space<hbm>> -> memref<128x128xf32, #tpu.memory_space<hbm>>
        tpu.wait_dma2 semaphore(%arg16 : memref<!tpu.dma_semaphore, #tpu.memory_space<semaphore_mem>>) src(%arg7 : memref<128x128xf32, #tpu.memory_space<vmem>>) dst(%dma_wait3A_221 : memref<128x128xf32, #tpu.memory_space<hbm>>)
        %add3A_222 = arith.constant 0 : i32
        %add3A_223 = arith.addi %mul3A_167, %add3A_222 : i32
        %mul3A_224 = arith.constant 128 : i32
        %mul3A_225 = arith.muli %add3A_223, %mul3A_224 : i32
        %dma_start3A_226 = tpu.memref_slice %arg6[%mul3A_225] : memref<3200xi32, #tpu.memory_space<vmem>> -> memref<128xi32, #tpu.memory_space<vmem>>
        %dma_start3A_227 = arith.constant 0 : i32
        %dma_start3A_228 = arith.constant 0 : i32
        %dma_start3A_229 = tpu.memref_slice %arg5[%dma_start3A_227, %dma_start3A_228] : memref<1000x128xf32, #tpu.memory_space<vmem_shared>> -> memref<1000x128xf32, #tpu.memory_space<vmem_shared>>
        tpu.enqueue_indirect_dma source(%dma_start3A_229 : memref<1000x128xf32, #tpu.memory_space<vmem_shared>>) target(%arg7 : memref<128x128xf32, #tpu.memory_space<vmem>>) offsets(%dma_start3A_226 : memref<128xi32, #tpu.memory_space<vmem>>) semaphore(%arg12 : memref<!tpu.dma_semaphore, #tpu.memory_space<semaphore_mem>>)
      } else {
      }
      %add3A_174 = arith.constant 1 : i32
      %add3A_175 = arith.addi %mul3A_167, %add3A_174 : i32
      %lt3A_176 = arith.cmpi slt, %add3A_175, %sub3A : i32
      %convert_element_type3A_177 = arith.extui %lt3A_176 : i1 to i32
      %cond3A_178 = arith.constant 0 : i32
      %cond3A_179 = arith.cmpi ne, %convert_element_type3A_177, %cond3A_178 : i32
      scf.if %cond3A_179 {
        %dma_wait3A_216 = arith.constant 0 : i32
        %dma_wait3A_217 = arith.constant 0 : i32
        %dma_wait3A_218 = tpu.memref_slice %arg4[%dma_wait3A_216, %dma_wait3A_217] : memref<100000x128xf32, #tpu.memory_space<hbm>> -> memref<128x128xf32, #tpu.memory_space<hbm>>
        %dma_wait3A_219 = arith.constant 0 : i32
        %dma_wait3A_220 = arith.constant 0 : i32
        %dma_wait3A_221 = tpu.memref_slice %arg4[%dma_wait3A_219, %dma_wait3A_220] : memref<100000x128xf32, #tpu.memory_space<hbm>> -> memref<128x128xf32, #tpu.memory_space<hbm>>
        tpu.wait_dma2 semaphore(%arg17 : memref<!tpu.dma_semaphore, #tpu.memory_space<semaphore_mem>>) src(%arg8 : memref<128x128xf32, #tpu.memory_space<vmem>>) dst(%dma_wait3A_221 : memref<128x128xf32, #tpu.memory_space<hbm>>)
        %add3A_222 = arith.constant 1 : i32
        %add3A_223 = arith.addi %mul3A_167, %add3A_222 : i32
        %mul3A_224 = arith.constant 128 : i32
        %mul3A_225 = arith.muli %add3A_223, %mul3A_224 : i32
        %dma_start3A_226 = tpu.memref_slice %arg6[%mul3A_225] : memref<3200xi32, #tpu.memory_space<vmem>> -> memref<128xi32, #tpu.memory_space<vmem>>
        %dma_start3A_227 = arith.constant 0 : i32
        %dma_start3A_228 = arith.constant 0 : i32
        %dma_start3A_229 = tpu.memref_slice %arg5[%dma_start3A_227, %dma_start3A_228] : memref<1000x128xf32, #tpu.memory_space<vmem_shared>> -> memref<1000x128xf32, #tpu.memory_space<vmem_shared>>
        tpu.enqueue_indirect_dma source(%dma_start3A_229 : memref<1000x128xf32, #tpu.memory_space<vmem_shared>>) target(%arg8 : memref<128x128xf32, #tpu.memory_space<vmem>>) offsets(%dma_start3A_226 : memref<128xi32, #tpu.memory_space<vmem>>) semaphore(%arg13 : memref<!tpu.dma_semaphore, #tpu.memory_space<semaphore_mem>>)
      } else {
      }
      %add3A_180 = arith.constant 2 : i32
      %add3A_181 = arith.addi %mul3A_167, %add3A_180 : i32
      %lt3A_182 = arith.cmpi slt, %add3A_181, %sub3A : i32
      %convert_element_type3A_183 = arith.extui %lt3A_182 : i1 to i32
      %cond3A_184 = arith.constant 0 : i32
      %cond3A_185 = arith.cmpi ne, %convert_element_type3A_183, %cond3A_184 : i32
      scf.if %cond3A_185 {
        %dma_wait3A_216 = arith.constant 0 : i32
        %dma_wait3A_217 = arith.constant 0 : i32
        %dma_wait3A_218 = tpu.memref_slice %arg4[%dma_wait3A_216, %dma_wait3A_217] : memref<100000x128xf32, #tpu.memory_space<hbm>> -> memref<128x128xf32, #tpu.memory_space<hbm>>
        %dma_wait3A_219 = arith.constant 0 : i32
        %dma_wait3A_220 = arith.constant 0 : i32
        %dma_wait3A_221 = tpu.memref_slice %arg4[%dma_wait3A_219, %dma_wait3A_220] : memref<100000x128xf32, #tpu.memory_space<hbm>> -> memref<128x128xf32, #tpu.memory_space<hbm>>
        tpu.wait_dma2 semaphore(%arg18 : memref<!tpu.dma_semaphore, #tpu.memory_space<semaphore_mem>>) src(%arg9 : memref<128x128xf32, #tpu.memory_space<vmem>>) dst(%dma_wait3A_221 : memref<128x128xf32, #tpu.memory_space<hbm>>)
        %add3A_222 = arith.constant 2 : i32
        %add3A_223 = arith.addi %mul3A_167, %add3A_222 : i32
        %mul3A_224 = arith.constant 128 : i32
        %mul3A_225 = arith.muli %add3A_223, %mul3A_224 : i32
        %dma_start3A_226 = tpu.memref_slice %arg6[%mul3A_225] : memref<3200xi32, #tpu.memory_space<vmem>> -> memref<128xi32, #tpu.memory_space<vmem>>
        %dma_start3A_227 = arith.constant 0 : i32
        %dma_start3A_228 = arith.constant 0 : i32
        %dma_start3A_229 = tpu.memref_slice %arg5[%dma_start3A_227, %dma_start3A_228] : memref<1000x128xf32, #tpu.memory_space<vmem_shared>> -> memref<1000x128xf32, #tpu.memory_space<vmem_shared>>
        tpu.enqueue_indirect_dma source(%dma_start3A_229 : memref<1000x128xf32, #tpu.memory_space<vmem_shared>>) target(%arg9 : memref<128x128xf32, #tpu.memory_space<vmem>>) offsets(%dma_start3A_226 : memref<128xi32, #tpu.memory_space<vmem>>) semaphore(%arg14 : memref<!tpu.dma_semaphore, #tpu.memory_space<semaphore_mem>>)
      } else {
      }
      %add3A_186 = arith.constant 3 : i32
      %add3A_187 = arith.addi %mul3A_167, %add3A_186 : i32
      %lt3A_188 = arith.cmpi slt, %add3A_187, %sub3A : i32
      %convert_element_type3A_189 = arith.extui %lt3A_188 : i1 to i32
      %cond3A_190 = arith.constant 0 : i32
      %cond3A_191 = arith.cmpi ne, %convert_element_type3A_189, %cond3A_190 : i32
      scf.if %cond3A_191 {
        %dma_wait3A_216 = arith.constant 0 : i32
        %dma_wait3A_217 = arith.constant 0 : i32
        %dma_wait3A_218 = tpu.memref_slice %arg4[%dma_wait3A_216, %dma_wait3A_217] : memref<100000x128xf32, #tpu.memory_space<hbm>> -> memref<128x128xf32, #tpu.memory_space<hbm>>
        %dma_wait3A_219 = arith.constant 0 : i32
        %dma_wait3A_220 = arith.constant 0 : i32
        %dma_wait3A_221 = tpu.memref_slice %arg4[%dma_wait3A_219, %dma_wait3A_220] : memref<100000x128xf32, #tpu.memory_space<hbm>> -> memref<128x128xf32, #tpu.memory_space<hbm>>
        tpu.wait_dma2 semaphore(%arg19 : memref<!tpu.dma_semaphore, #tpu.memory_space<semaphore_mem>>) src(%arg10 : memref<128x128xf32, #tpu.memory_space<vmem>>) dst(%dma_wait3A_221 : memref<128x128xf32, #tpu.memory_space<hbm>>)
        %add3A_222 = arith.constant 3 : i32
        %add3A_223 = arith.addi %mul3A_167, %add3A_222 : i32
        %mul3A_224 = arith.constant 128 : i32
        %mul3A_225 = arith.muli %add3A_223, %mul3A_224 : i32
        %dma_start3A_226 = tpu.memref_slice %arg6[%mul3A_225] : memref<3200xi32, #tpu.memory_space<vmem>> -> memref<128xi32, #tpu.memory_space<vmem>>
        %dma_start3A_227 = arith.constant 0 : i32
        %dma_start3A_228 = arith.constant 0 : i32
        %dma_start3A_229 = tpu.memref_slice %arg5[%dma_start3A_227, %dma_start3A_228] : memref<1000x128xf32, #tpu.memory_space<vmem_shared>> -> memref<1000x128xf32, #tpu.memory_space<vmem_shared>>
        tpu.enqueue_indirect_dma source(%dma_start3A_229 : memref<1000x128xf32, #tpu.memory_space<vmem_shared>>) target(%arg10 : memref<128x128xf32, #tpu.memory_space<vmem>>) offsets(%dma_start3A_226 : memref<128xi32, #tpu.memory_space<vmem>>) semaphore(%arg15 : memref<!tpu.dma_semaphore, #tpu.memory_space<semaphore_mem>>)
      } else {
      }
      %add3A_192 = arith.constant 0 : i32
      %add3A_193 = arith.addi %mul3A_167, %add3A_192 : i32
      %lt3A_194 = arith.cmpi slt, %add3A_193, %sub3A : i32
      %convert_element_type3A_195 = arith.extui %lt3A_194 : i1 to i32
      %cond3A_196 = arith.constant 0 : i32
      %cond3A_197 = arith.cmpi ne, %convert_element_type3A_195, %cond3A_196 : i32
      scf.if %cond3A_197 {
        %dma_wait3A_216 = arith.constant 0 : i32
        %dma_wait3A_217 = arith.constant 0 : i32
        %dma_wait3A_218 = tpu.memref_slice %arg4[%dma_wait3A_216, %dma_wait3A_217] : memref<100000x128xf32, #tpu.memory_space<hbm>> -> memref<128x128xf32, #tpu.memory_space<hbm>>
        %dma_wait3A_219 = arith.constant 0 : i32
        %dma_wait3A_220 = arith.constant 0 : i32
        %dma_wait3A_221 = tpu.memref_slice %arg4[%dma_wait3A_219, %dma_wait3A_220] : memref<100000x128xf32, #tpu.memory_space<hbm>> -> memref<128x128xf32, #tpu.memory_space<hbm>>
        tpu.wait_dma2 semaphore(%arg12 : memref<!tpu.dma_semaphore, #tpu.memory_space<semaphore_mem>>) src(%dma_wait3A_221 : memref<128x128xf32, #tpu.memory_space<hbm>>) dst(%arg7 : memref<128x128xf32, #tpu.memory_space<vmem>>)
        %add3A_222 = arith.constant 0 : i32
        %add3A_223 = arith.addi %mul3A_167, %add3A_222 : i32
        %add3A_224 = arith.addi %add3A_4, %add3A_223 : i32
        %mul3A_225 = arith.constant 128 : i32
        %mul3A_226 = arith.muli %add3A_224, %mul3A_225 : i32
        %dma_start3A_227 = arith.constant 0 : i32
        %dma_start3A_228 = tpu.memref_slice %arg4[%mul3A_226, %dma_start3A_227] : memref<100000x128xf32, #tpu.memory_space<hbm>> -> memref<128x128xf32, #tpu.memory_space<hbm>>
        %dma_start3A_229 = arith.constant 0 : i32
        %dma_start3A_230 = tpu.memref_slice %arg4[%mul3A_226, %dma_start3A_229] : memref<100000x128xf32, #tpu.memory_space<hbm>> -> memref<128x128xf32, #tpu.memory_space<hbm>>
        tpu.enqueue_dma source(%arg7 : memref<128x128xf32, #tpu.memory_space<vmem>>) target(%dma_start3A_230 : memref<128x128xf32, #tpu.memory_space<hbm>>) target_semaphore(%arg16 : memref<!tpu.dma_semaphore, #tpu.memory_space<semaphore_mem>>)
      } else {
      }
      %add3A_198 = arith.constant 1 : i32
      %add3A_199 = arith.addi %mul3A_167, %add3A_198 : i32
      %lt3A_200 = arith.cmpi slt, %add3A_199, %sub3A : i32
      %convert_element_type3A_201 = arith.extui %lt3A_200 : i1 to i32
      %cond3A_202 = arith.constant 0 : i32
      %cond3A_203 = arith.cmpi ne, %convert_element_type3A_201, %cond3A_202 : i32
      scf.if %cond3A_203 {
        %dma_wait3A_216 = arith.constant 0 : i32
        %dma_wait3A_217 = arith.constant 0 : i32
        %dma_wait3A_218 = tpu.memref_slice %arg4[%dma_wait3A_216, %dma_wait3A_217] : memref<100000x128xf32, #tpu.memory_space<hbm>> -> memref<128x128xf32, #tpu.memory_space<hbm>>
        %dma_wait3A_219 = arith.constant 0 : i32
        %dma_wait3A_220 = arith.constant 0 : i32
        %dma_wait3A_221 = tpu.memref_slice %arg4[%dma_wait3A_219, %dma_wait3A_220] : memref<100000x128xf32, #tpu.memory_space<hbm>> -> memref<128x128xf32, #tpu.memory_space<hbm>>
        tpu.wait_dma2 semaphore(%arg13 : memref<!tpu.dma_semaphore, #tpu.memory_space<semaphore_mem>>) src(%dma_wait3A_221 : memref<128x128xf32, #tpu.memory_space<hbm>>) dst(%arg8 : memref<128x128xf32, #tpu.memory_space<vmem>>)
        %add3A_222 = arith.constant 1 : i32
        %add3A_223 = arith.addi %mul3A_167, %add3A_222 : i32
        %add3A_224 = arith.addi %add3A_4, %add3A_223 : i32
        %mul3A_225 = arith.constant 128 : i32
        %mul3A_226 = arith.muli %add3A_224, %mul3A_225 : i32
        %dma_start3A_227 = arith.constant 0 : i32
        %dma_start3A_228 = tpu.memref_slice %arg4[%mul3A_226, %dma_start3A_227] : memref<100000x128xf32, #tpu.memory_space<hbm>> -> memref<128x128xf32, #tpu.memory_space<hbm>>
        %dma_start3A_229 = arith.constant 0 : i32
        %dma_start3A_230 = tpu.memref_slice %arg4[%mul3A_226, %dma_start3A_229] : memref<100000x128xf32, #tpu.memory_space<hbm>> -> memref<128x128xf32, #tpu.memory_space<hbm>>
        tpu.enqueue_dma source(%arg8 : memref<128x128xf32, #tpu.memory_space<vmem>>) target(%dma_start3A_230 : memref<128x128xf32, #tpu.memory_space<hbm>>) target_semaphore(%arg17 : memref<!tpu.dma_semaphore, #tpu.memory_space<semaphore_mem>>)
      } else {
      }
      %add3A_204 = arith.constant 2 : i32
      %add3A_205 = arith.addi %mul3A_167, %add3A_204 : i32
      %lt3A_206 = arith.cmpi slt, %add3A_205, %sub3A : i32
      %convert_element_type3A_207 = arith.extui %lt3A_206 : i1 to i32
      %cond3A_208 = arith.constant 0 : i32
      %cond3A_209 = arith.cmpi ne, %convert_element_type3A_207, %cond3A_208 : i32
      scf.if %cond3A_209 {
        %dma_wait3A_216 = arith.constant 0 : i32
        %dma_wait3A_217 = arith.constant 0 : i32
        %dma_wait3A_218 = tpu.memref_slice %arg4[%dma_wait3A_216, %dma_wait3A_217] : memref<100000x128xf32, #tpu.memory_space<hbm>> -> memref<128x128xf32, #tpu.memory_space<hbm>>
        %dma_wait3A_219 = arith.constant 0 : i32
        %dma_wait3A_220 = arith.constant 0 : i32
        %dma_wait3A_221 = tpu.memref_slice %arg4[%dma_wait3A_219, %dma_wait3A_220] : memref<100000x128xf32, #tpu.memory_space<hbm>> -> memref<128x128xf32, #tpu.memory_space<hbm>>
        tpu.wait_dma2 semaphore(%arg14 : memref<!tpu.dma_semaphore, #tpu.memory_space<semaphore_mem>>) src(%dma_wait3A_221 : memref<128x128xf32, #tpu.memory_space<hbm>>) dst(%arg9 : memref<128x128xf32, #tpu.memory_space<vmem>>)
        %add3A_222 = arith.constant 2 : i32
        %add3A_223 = arith.addi %mul3A_167, %add3A_222 : i32
        %add3A_224 = arith.addi %add3A_4, %add3A_223 : i32
        %mul3A_225 = arith.constant 128 : i32
        %mul3A_226 = arith.muli %add3A_224, %mul3A_225 : i32
        %dma_start3A_227 = arith.constant 0 : i32
        %dma_start3A_228 = tpu.memref_slice %arg4[%mul3A_226, %dma_start3A_227] : memref<100000x128xf32, #tpu.memory_space<hbm>> -> memref<128x128xf32, #tpu.memory_space<hbm>>
        %dma_start3A_229 = arith.constant 0 : i32
        %dma_start3A_230 = tpu.memref_slice %arg4[%mul3A_226, %dma_start3A_229] : memref<100000x128xf32, #tpu.memory_space<hbm>> -> memref<128x128xf32, #tpu.memory_space<hbm>>
        tpu.enqueue_dma source(%arg9 : memref<128x128xf32, #tpu.memory_space<vmem>>) target(%dma_start3A_230 : memref<128x128xf32, #tpu.memory_space<hbm>>) target_semaphore(%arg18 : memref<!tpu.dma_semaphore, #tpu.memory_space<semaphore_mem>>)
      } else {
      }
      %add3A_210 = arith.constant 3 : i32
      %add3A_211 = arith.addi %mul3A_167, %add3A_210 : i32
      %lt3A_212 = arith.cmpi slt, %add3A_211, %sub3A : i32
      %convert_element_type3A_213 = arith.extui %lt3A_212 : i1 to i32
      %cond3A_214 = arith.constant 0 : i32
      %cond3A_215 = arith.cmpi ne, %convert_element_type3A_213, %cond3A_214 : i32
      scf.if %cond3A_215 {
        %dma_wait3A_216 = arith.constant 0 : i32
        %dma_wait3A_217 = arith.constant 0 : i32
        %dma_wait3A_218 = tpu.memref_slice %arg4[%dma_wait3A_216, %dma_wait3A_217] : memref<100000x128xf32, #tpu.memory_space<hbm>> -> memref<128x128xf32, #tpu.memory_space<hbm>>
        %dma_wait3A_219 = arith.constant 0 : i32
        %dma_wait3A_220 = arith.constant 0 : i32
        %dma_wait3A_221 = tpu.memref_slice %arg4[%dma_wait3A_219, %dma_wait3A_220] : memref<100000x128xf32, #tpu.memory_space<hbm>> -> memref<128x128xf32, #tpu.memory_space<hbm>>
        tpu.wait_dma2 semaphore(%arg15 : memref<!tpu.dma_semaphore, #tpu.memory_space<semaphore_mem>>) src(%dma_wait3A_221 : memref<128x128xf32, #tpu.memory_space<hbm>>) dst(%arg10 : memref<128x128xf32, #tpu.memory_space<vmem>>)
        %add3A_222 = arith.constant 3 : i32
        %add3A_223 = arith.addi %mul3A_167, %add3A_222 : i32
        %add3A_224 = arith.addi %add3A_4, %add3A_223 : i32
        %mul3A_225 = arith.constant 128 : i32
        %mul3A_226 = arith.muli %add3A_224, %mul3A_225 : i32
        %dma_start3A_227 = arith.constant 0 : i32
        %dma_start3A_228 = tpu.memref_slice %arg4[%mul3A_226, %dma_start3A_227] : memref<100000x128xf32, #tpu.memory_space<hbm>> -> memref<128x128xf32, #tpu.memory_space<hbm>>
        %dma_start3A_229 = arith.constant 0 : i32
        %dma_start3A_230 = tpu.memref_slice %arg4[%mul3A_226, %dma_start3A_229] : memref<100000x128xf32, #tpu.memory_space<hbm>> -> memref<128x128xf32, #tpu.memory_space<hbm>>
        tpu.enqueue_dma source(%arg10 : memref<128x128xf32, #tpu.memory_space<vmem>>) target(%dma_start3A_230 : memref<128x128xf32, #tpu.memory_space<hbm>>) target_semaphore(%arg19 : memref<!tpu.dma_semaphore, #tpu.memory_space<semaphore_mem>>)
      } else {
      }
    }
    %scan3A_131 = arith.constant 6 : i32
    %dma_wait3A_132 = arith.constant 0 : i32
    %dma_wait3A_133 = arith.constant 0 : i32
    %dma_wait3A_134 = tpu.memref_slice %arg4[%dma_wait3A_132, %dma_wait3A_133] : memref<100000x128xf32, #tpu.memory_space<hbm>> -> memref<128x128xf32, #tpu.memory_space<hbm>>
    %dma_wait3A_135 = arith.constant 0 : i32
    %dma_wait3A_136 = arith.constant 0 : i32
    %dma_wait3A_137 = tpu.memref_slice %arg4[%dma_wait3A_135, %dma_wait3A_136] : memref<100000x128xf32, #tpu.memory_space<hbm>> -> memref<128x128xf32, #tpu.memory_space<hbm>>
    tpu.wait_dma2 semaphore(%arg16 : memref<!tpu.dma_semaphore, #tpu.memory_space<semaphore_mem>>) src(%arg7 : memref<128x128xf32, #tpu.memory_space<vmem>>) dst(%dma_wait3A_137 : memref<128x128xf32, #tpu.memory_space<hbm>>)
    %dma_wait3A_138 = arith.constant 0 : i32
    %dma_wait3A_139 = arith.constant 0 : i32
    %dma_wait3A_140 = tpu.memref_slice %arg4[%dma_wait3A_138, %dma_wait3A_139] : memref<100000x128xf32, #tpu.memory_space<hbm>> -> memref<128x128xf32, #tpu.memory_space<hbm>>
    %dma_wait3A_141 = arith.constant 0 : i32
    %dma_wait3A_142 = arith.constant 0 : i32
    %dma_wait3A_143 = tpu.memref_slice %arg4[%dma_wait3A_141, %dma_wait3A_142] : memref<100000x128xf32, #tpu.memory_space<hbm>> -> memref<128x128xf32, #tpu.memory_space<hbm>>
    tpu.wait_dma2 semaphore(%arg17 : memref<!tpu.dma_semaphore, #tpu.memory_space<semaphore_mem>>) src(%arg8 : memref<128x128xf32, #tpu.memory_space<vmem>>) dst(%dma_wait3A_143 : memref<128x128xf32, #tpu.memory_space<hbm>>)
    %dma_wait3A_144 = arith.constant 0 : i32
    %dma_wait3A_145 = arith.constant 0 : i32
    %dma_wait3A_146 = tpu.memref_slice %arg4[%dma_wait3A_144, %dma_wait3A_145] : memref<100000x128xf32, #tpu.memory_space<hbm>> -> memref<128x128xf32, #tpu.memory_space<hbm>>
    %dma_wait3A_147 = arith.constant 0 : i32
    %dma_wait3A_148 = arith.constant 0 : i32
    %dma_wait3A_149 = tpu.memref_slice %arg4[%dma_wait3A_147, %dma_wait3A_148] : memref<100000x128xf32, #tpu.memory_space<hbm>> -> memref<128x128xf32, #tpu.memory_space<hbm>>
    tpu.wait_dma2 semaphore(%arg18 : memref<!tpu.dma_semaphore, #tpu.memory_space<semaphore_mem>>) src(%arg9 : memref<128x128xf32, #tpu.memory_space<vmem>>) dst(%dma_wait3A_149 : memref<128x128xf32, #tpu.memory_space<hbm>>)
    %dma_wait3A_150 = arith.constant 0 : i32
    %dma_wait3A_151 = arith.constant 0 : i32
    %dma_wait3A_152 = tpu.memref_slice %arg4[%dma_wait3A_150, %dma_wait3A_151] : memref<100000x128xf32, #tpu.memory_space<hbm>> -> memref<128x128xf32, #tpu.memory_space<hbm>>
    %dma_wait3A_153 = arith.constant 0 : i32
    %dma_wait3A_154 = arith.constant 0 : i32
    %dma_wait3A_155 = tpu.memref_slice %arg4[%dma_wait3A_153, %dma_wait3A_154] : memref<100000x128xf32, #tpu.memory_space<hbm>> -> memref<128x128xf32, #tpu.memory_space<hbm>>
    tpu.wait_dma2 semaphore(%arg19 : memref<!tpu.dma_semaphore, #tpu.memory_space<semaphore_mem>>) src(%arg10 : memref<128x128xf32, #tpu.memory_space<vmem>>) dst(%dma_wait3A_155 : memref<128x128xf32, #tpu.memory_space<hbm>>)
    %eq3A_156 = arith.constant 31 : i32
    %eq3A_157 = arith.cmpi eq, %add3A, %eq3A_156 : i32
    %convert_element_type3A_158 = arith.extui %eq3A_157 : i1 to i32
    %cond3A_159 = arith.constant 0 : i32
    %cond3A_160 = arith.cmpi ne, %convert_element_type3A_158, %cond3A_159 : i32
    scf.if %cond3A_160 {
      %dma_start3A_161 = arith.constant 2944 : i32
      %dma_start3A_162 = tpu.memref_slice %arg6[%dma_start3A_161] : memref<3200xi32, #tpu.memory_space<vmem>> -> memref<32xi32, #tpu.memory_space<vmem>>
      %dma_start3A_163 = arith.constant 0 : i32
      %dma_start3A_164 = arith.constant 0 : i32
      %dma_start3A_165 = tpu.memref_slice %arg5[%dma_start3A_163, %dma_start3A_164] : memref<1000x128xf32, #tpu.memory_space<vmem_shared>> -> memref<1000x128xf32, #tpu.memory_space<vmem_shared>>
      tpu.enqueue_indirect_dma source(%dma_start3A_165 : memref<1000x128xf32, #tpu.memory_space<vmem_shared>>) target(%arg11 : memref<32x128xf32, #tpu.memory_space<vmem>>) offsets(%dma_start3A_162 : memref<32xi32, #tpu.memory_space<vmem>>) semaphore(%arg12 : memref<!tpu.dma_semaphore, #tpu.memory_space<semaphore_mem>>)
      %dma_wait3A_166 = arith.constant 2944 : i32
      %dma_wait3A_167 = tpu.memref_slice %arg6[%dma_wait3A_166] : memref<3200xi32, #tpu.memory_space<vmem>> -> memref<32xi32, #tpu.memory_space<vmem>>
      %dma_wait3A_168 = arith.constant 0 : i32
      %dma_wait3A_169 = arith.constant 0 : i32
      %dma_wait3A_170 = tpu.memref_slice %arg5[%dma_wait3A_168, %dma_wait3A_169] : memref<1000x128xf32, #tpu.memory_space<vmem_shared>> -> memref<1000x128xf32, #tpu.memory_space<vmem_shared>>
      tpu.wait_indirect_dma semaphore(%arg12 : memref<!tpu.dma_semaphore, #tpu.memory_space<semaphore_mem>>) src(%dma_wait3A_170 : memref<1000x128xf32, #tpu.memory_space<vmem_shared>>) dst(%arg11 : memref<32x128xf32, #tpu.memory_space<vmem>>)
      "tpu.region"() ({
        %run_scoped3A = tpu.sem_alloc : memref<!tpu.dma_semaphore, #tpu.memory_space<semaphore_mem>>
        %dma_start3A_171 = arith.constant 99968 : i32
        %dma_start3A_172 = arith.constant 0 : i32
        %dma_start3A_173 = tpu.memref_slice %arg4[%dma_start3A_171, %dma_start3A_172] : memref<100000x128xf32, #tpu.memory_space<hbm>> -> memref<32x128xf32, #tpu.memory_space<hbm>>
        %dma_start3A_174 = arith.constant 99968 : i32
        %dma_start3A_175 = arith.constant 0 : i32
        %dma_start3A_176 = tpu.memref_slice %arg4[%dma_start3A_174, %dma_start3A_175] : memref<100000x128xf32, #tpu.memory_space<hbm>> -> memref<32x128xf32, #tpu.memory_space<hbm>>
        tpu.enqueue_dma source(%arg11 : memref<32x128xf32, #tpu.memory_space<vmem>>) target(%dma_start3A_176 : memref<32x128xf32, #tpu.memory_space<hbm>>) target_semaphore(%run_scoped3A : memref<!tpu.dma_semaphore, #tpu.memory_space<semaphore_mem>>)
        %dma_wait3A_177 = arith.constant 99968 : i32
        %dma_wait3A_178 = arith.constant 0 : i32
        %dma_wait3A_179 = tpu.memref_slice %arg4[%dma_wait3A_177, %dma_wait3A_178] : memref<100000x128xf32, #tpu.memory_space<hbm>> -> memref<32x128xf32, #tpu.memory_space<hbm>>
        %dma_wait3A_180 = arith.constant 99968 : i32
        %dma_wait3A_181 = arith.constant 0 : i32
        %dma_wait3A_182 = tpu.memref_slice %arg4[%dma_wait3A_180, %dma_wait3A_181] : memref<100000x128xf32, #tpu.memory_space<hbm>> -> memref<32x128xf32, #tpu.memory_space<hbm>>
        tpu.wait_dma2 semaphore(%run_scoped3A : memref<!tpu.dma_semaphore, #tpu.memory_space<semaphore_mem>>) src(%arg11 : memref<32x128xf32, #tpu.memory_space<vmem>>) dst(%dma_wait3A_182 : memref<32x128xf32, #tpu.memory_space<hbm>>)
        tpu.yield
      }) : () -> ()
    } else {
    }
    return
  }
}

</mosaic_0001>

<sc_bundles>
// kernel: kernel.3.cloned.1.call-start
scs
__scs_entry_jumppad:
0x0: {  	(pc) =	sbr.rel $0x88, $3  }
0x1: {  	(tag) =	ssettag $0x0;
	lr =	simm.s32 $0x1  }
0x2: {  	[smem:$0x3F9F] =	sst lr;
	_ =	strace $0xD0000000  }
0x3: {  	_ = 	snop  }
0x4: {  	_ = 	snop  }
0x5: {  	_ = 	snop  }
0x6: {  	_ = 	snop  }
0x7: {  	_ = 	snop  }
__scs_overlays_trampoline_lowered:
0x8: {  	[smem:$0x3FAE] =	sst s0  }
0x9: {  	[smem:$0x3FAF] =	sst s1  }
0xa: {  	[smem:$0x3FB0] =	sst s2  }
0xb: {  	[smem:$0x3FB1] =	sst s3  }
0xc: {  	[smem:$0x3FB2] =	sst s4  }
0xd: {  	[smem:$0x3FB3] =	sst s5  }
0xe: {  	[smem:$0x3FB4] =	sst s6  }
0xf: {  	[smem:$0x3FB5] =	sst s7  }
0x10: {  	[smem:$0x3FB6] =	sst s8  }
0x11: {  	[smem:$0x3FB7] =	sst s9;
	s0 =	simm.s32 @!p0 $0x0  }
0x12: {  	s1 =	sld [smem:$0x3F9D];
	s0 =	simm.s32 @p0 $0x1  }
0x13: {  	[smem:$0x3FB8] =	sst s0;
	s0 =	simm.s32 @!p1 $0x0  }
0x14: {  	s2 =	sld [smem:$0x3F9C];
	s0 =	simm.s32 @p1 $0x1  }
0x15: {  	[smem:$0x3FB9] =	sst s0;
	s0 =	simm.s32 @!p2 $0x0  }
0x16: {  	s3 =	sld [smem:$0x3FDB];
	s0 =	simm.s32 @p2 $0x1  }
0x17: {  	s4 =	simm.s32 $0x1BF5;
	[smem:$0x3FBB] =	sst s0  }
0x18: {  	s0 =	sld [smem:$0x3F9E];
	_ =	swait.ge [sflag:s4], $0x0  }
0x19: {  	s7 =	sld [smem:$0x3F9F]  }
0x1a: {  	s8 =	sadd.s32 $0xFFFFE003, lr  }
0x1b: {  	s9 =	sadd.s32 $0xFFFFFEF7, lr;
	s5 =	simm.s32 $0xFFFFFFFF;
	p2 =	slt.u32 s8, $0xFFFFF086  }
0x1c: {  	p1 =	slt.u32 s9, $0xF7A;
	s5 =	simm.s32 @!p2 $0x0  }
0x1d: {  	s5 =	simm.s32 @p1 $0x1;
	p0 =	seq.s32 s7, s2  }
0x1e: {  	s7 =	smul.u32 @!p0 $0xF7A, s2;
	p2 =	seq.s32 @!p0 s5, $0x0  }
0x1f: {  	s9 =	smul.u32 $0xF7A, s1;
	s8 =	simm.s32 @!p0 $0x1BF5;
	p2 =	por !p2, p0  }
0x20: {  	[sflag:s8] =	ssyncset.s32 @!p0 $0xFFFFF086;
	s6 =	sadd.s32 @!p0 s3, s7;
	s7 =	simm.s32 @!p0 $0x108  }
0x21: {  	s3 =	sadd.s32 s3, s9;
	s6 =	sadd.s32 @!p0 $0x88, s6;
	s7 =	simm.s32 @p2 $0x1082  }
0x22: {  	[simem:s7], [sflag:s8] =	dma.local @!p0 [hbm:s6], $0xF7A  }
0x23: {  	s9 =	sor.u32 $0xD0000000, s2;
	s6 =	simm.s32 $0x108;
	_ =	swait.ge @!p0 [sflag:s8], $0x0  }
0x24: {  	s3 =	sadd.s32 $0x88, s3;
	s6 =	simm.s32 @!p1 $0x1082;
	[sflag:s4] =	ssyncset.s32 $0xFFFFF086  }
0x25: {  	[simem:s6], [sflag:s4] =	dma.local [hbm:s3], $0xF7A  }
0x26: {  	[smem:$0x3F9F] =	sst s1;
	(tag) =	ssettag s2;
	_ =	strace s9  }
0x27: {  	s1 =	sld [smem:$0x3FAF]  }
0x28: {  	s2 =	sld [smem:$0x3FB0]  }
0x29: {  	s4 =	sld [smem:$0x3FB2]  }
0x2a: {  	p0 =	seq.s32 s5, $0x0;
	s5 =	sld [smem:$0x3FB3]  }
0x2b: {  	s6 =	sld [smem:$0x3FB4]  }
0x2c: {  	s7 =	sld [smem:$0x3FB5]  }
0x2d: {  	s3 =	simm.s32 $0x108;
	s8 =	sld [smem:$0x3FB6]  }
0x2e: {  	s3 =	simm.s32 @!p0 $0x1082;
	s9 =	sld [smem:$0x3FB7]  }
0x2f: {  	lr =	sadd.s32 s0, s3;
	s0 =	sld [smem:$0x3FAE]  }
0x30: {  	s3 =	sld [smem:$0x3FB1]  }
0x31: {  	[smem:$0x3FBA] =	sst s10  }
0x32: {  	s10 =	sld [smem:$0x3FB8];
	_ =	sdelay $0x3  }
0x33: {  	p0 =	seq.s32 s10, $0x1;
	s10 =	sld [smem:$0x3FBA];
	_ =	sdelay $0x3  }
0x34: {  	[smem:$0x3FBA] =	sst s10  }
0x35: {  	s10 =	sld [smem:$0x3FB9];
	_ =	sdelay $0x3  }
0x36: {  	p1 =	seq.s32 s10, $0x1;
	s10 =	sld [smem:$0x3FBA];
	_ =	sdelay $0x3  }
0x37: {  	[smem:$0x3FBA] =	sst s10  }
0x38: {  	s10 =	sld [smem:$0x3FBB]  }
0x39: {  	_ = 	snop;
	(pc) =	sbr.ind lr, $3  }
0x3a: {  	_ = 	snop  }
0x3b: {  	_ = 	snop  }
0x3c: {  	p2 =	seq.s32 s10, $0x1;
	s10 =	sld [smem:$0x3FBA]  }
0x3d: {  	_ =	shalt  }
0x3e: {  	_ =	shalt  }
0x3f: {  	_ =	shalt  }
0x40: {  	_ =	shalt  }
0x41: {  	_ =	shalt  }
0x42: {  	_ =	shalt  }
0x43: {  	_ =	shalt  }
0x44: {  	_ =	shalt  }
0x45: {  	_ =	shalt  }
0x46: {  	_ =	shalt  }
0x47: {  	_ =	shalt  }
0x48: {  	_ =	shalt  }
0x49: {  	_ =	shalt  }
0x4a: {  	_ =	shalt  }
0x4b: {  	_ =	shalt  }
0x4c: {  	_ =	shalt  }
0x4d: {  	_ =	shalt  }
0x4e: {  	_ =	shalt  }
0x4f: {  	_ =	shalt  }
0x50: {  	_ =	shalt  }
0x51: {  	_ =	shalt  }
0x52: {  	_ =	shalt  }
0x53: {  	_ =	shalt  }
0x54: {  	_ =	shalt  }
0x55: {  	_ =	shalt  }
0x56: {  	_ =	shalt  }
0x57: {  	_ =	shalt  }
0x58: {  	_ =	shalt  }
0x59: {  	_ =	shalt  }
0x5a: {  	_ =	shalt  }
0x5b: {  	_ =	shalt  }
0x5c: {  	_ =	shalt  }
0x5d: {  	_ =	shalt  }
0x5e: {  	_ =	shalt  }
0x5f: {  	_ =	shalt  }
0x60: {  	_ =	shalt  }
0x61: {  	_ =	shalt  }
0x62: {  	_ =	shalt  }
0x63: {  	_ =	shalt  }
0x64: {  	_ =	shalt  }
0x65: {  	_ =	shalt  }
0x66: {  	_ =	shalt  }
0x67: {  	_ =	shalt  }
0x68: {  	_ =	shalt  }
0x69: {  	_ =	shalt  }
0x6a: {  	_ =	shalt  }
0x6b: {  	_ =	shalt  }
0x6c: {  	_ =	shalt  }
0x6d: {  	_ =	shalt  }
0x6e: {  	_ =	shalt  }
0x6f: {  	_ =	shalt  }
0x70: {  	_ =	shalt  }
0x71: {  	_ =	shalt  }
0x72: {  	_ =	shalt  }
0x73: {  	_ =	shalt  }
0x74: {  	_ =	shalt  }
0x75: {  	_ =	shalt  }
0x76: {  	_ =	shalt  }
0x77: {  	_ =	shalt  }
0x78: {  	_ =	shalt  }
0x79: {  	_ =	shalt  }
0x7a: {  	_ =	shalt  }
0x7b: {  	_ =	shalt  }
0x7c: {  	_ =	shalt  }
0x7d: {  	_ =	shalt  }
0x7e: {  	_ =	shalt  }
0x7f: {  	_ =	shalt  }
0x80: {  	_ =	shalt  }
0x81: {  	_ =	shalt  }
0x82: {  	_ =	shalt  }
0x83: {  	_ =	shalt  }
0x84: {  	_ =	shalt  }
0x85: {  	_ =	shalt  }
0x86: {  	_ =	shalt  }
0x87: {  	_ =	shalt  }
.Lfunc_end0:
.L_simem_size_0:
called_computation_lowered:
.L_overlay_start_0:
0x88: {  	s2 =	sld [smem:$0x3FD9]  }
0x89: {  	s3 =	sld [smem:$0x3FFE];
	_ =	sdelay $0x1  }
0x8a: {  	s1 =	srdreg.scid  }
0x8b: {  	s0 =	sand.u32 $0x1, s1  }
0x8c: {  	s17 =	sshll.u32 s0, $0xA;
	s2 =	sadd.s32 s3, s2  }
0x8d: {  	s2 =	sadd.s32 s2, s17  }
0x8e: {  	[smem:$0x3FC6] =	sst s2  }
0x8f: {  	_ = 	snop  }
0x90: {  	s2 =	sld [smem:$0x3FC8]  }
0x91: {  	s18 =	sld [smem:$0x3FD0];
	(tm) =	ssettm $0x1  }
0x92: {  	s4 =	sld [smem:$0x3FFB];
	_ =	sdelay $0x3  }
0x93: {  	_ =	strace s4  }
0x94: {  	s4 =	sld [smem:$0x3FFC];
	_ =	sdelay $0x3  }
0x95: {  	_ =	strace s4  }
0x96: {  	s4 =	sld [smem:$0x3FFD];
	_ =	sdelay $0x3  }
0x97: {  	_ =	strace s4  }
0x98: {  	_ =	strace $0x8FFFFFFF  }
0x99: {  	s19 =	sld [smem:$0x3FDB];
	_ =	sdelay $0x1  }
0x9a: {  	s5 =	simm.s32 $_scs_section_size  }
0x9b: {  	s6 =	simm.s32 $_size__tile_overlayer_lowered;
	s7 =	simm.s32 $_tile_overlayer_lowered  }
0x9c: {  	s22 =	simm.s32 $0x1BFF;
	s21 =	sshll.u32 s7, $0x1;
	s4 =	sadd.s32 s5, s19  }
0x9d: {  	s8 =	simm.s32 $0x0;
	s20 =	sshll.u32 s6, $0x1;
	s6 =	sadd.s32 s21, s4  }
0x9e: {  	[timem:s8], [sflag:s22] =	dma.local [hbm:s6], s20  }
0x9f: {  	_ =	swait.ge [sflag:s22], s20  }
0xa0: {  	s5 =	ssub.s32 $0x0, s20;
	[sflag:s22] =	ssyncset.done $0x0  }
0xa1: {  	[sflag:s22] =	ssyncadd.s32 s5;
	_ =	sdelay $0x1  }
0xa2: {  	s23 =	simm.s32 $0x1B8B  }
0xa3: {  	_ =	swait.ge [sflag:s23], $0x1  }
0xa4: {  	[sflag:s23] =	ssyncset.done $0x0  }
0xa5: {  	s25 =	simm.s32 $0x1B8E;
	s24 =	sld [smem:$0x3FFE];
	[sflag:s23] =	ssyncadd.s32 $0xFFFFFFFF  }
0xa6: {  	s26 =	simm.s32 $execute0_lowered;
	[smem:$0x3FD2] =	sst s25  }
0xa7: {  	s6 =	sshll.u32 s26, $0x1;
	_ =	strace $0x80000046;
	[dreg:$0x1] =	wrdreg $0xFFFFFFFF  }
0xa8: {  	s28 =	simm.s32 $_size_execute0_lowered;
	s4 =	sadd.s32 s4, s6;
	[dreg:$0x0] =	wrdreg $0x0  }
0xa9: {  	s6 =	sshll.u32 s28, $0x1;
	[dreg:$0x2] =	wrdreg s4  }
0xaa: {  	[dreg:$0x3] =	wrdreg s6  }
0xab: {  	[dreg:$0x4] =	wrdreg $0xC0  }
0xac: {  	_ =	task [dreg:s8], $0x5FFFF  }
0xad: {  	[dreg:$0x1] =	wrdreg $0xFFFFFFFF  }
0xae: {  	[dreg:$0x0] =	wrdreg $0x60  }
0xaf: {  	[dreg:$0x2] =	wrdreg s2  }
0xb0: {  	[dreg:$0x3] =	wrdreg s24  }
0xb1: {  	[dreg:$0x4] =	wrdreg s18  }
0xb2: {  	[dreg:$0x5] =	wrdreg $0x0  }
0xb3: {  	[dreg:$0x6] =	wrdreg $0x9  }
0xb4: {  	_ =	task.clear_ibuf [dreg:s8], $0x7FFFF;
	_ =	strace $0x90000046  }
0xb5: {  	s29 =	simm.s32 $0x9;
	_ =	strace $0x80000048  }
0xb6: {  	_ =	swait.ge [sflag:s29], $0x1  }
0xb7: {  	[sflag:s29] =	ssyncadd.s32 $0xFFFFFFFF  }
0xb8: {  	_ =	strace $0x90000048  }
0xb9: {  	_ =	sfence  }
0xba: {  	s30 =	sld [smem:$0x0];
	_ =	sdelay $0x2  }
0xbb: {  	s31 =	sshll.u32 s1, $0xD;
	s1 =	sshrl.u32 s1, $0x2  }
0xbc: {  	s3 =	sand.u32 $0x4000, s31;
	s1 =	sadd.s32 s1, s30  }
0xbd: {  	s0 =	sor.u32 s3, s0;
	s1 =	sshll.u32 s1, $0x11  }
0xbe: {  	s0 =	sor.u32 s1, s0  }
0xbf: {  	s0 =	sadd.s32 $0x8F2B, s0  }
0xc0: {  	[sflag:s0] =	ssyncadd.remote.s32 $0x1  }
0xc1: {  	_ =	sfence.sel $0xFFFF  }
0xc2: {  	[dreg:$0x0] =	wrdreg $0xFFFFFFFF;
	(pc) =	sbr.abs _section_cstart, $3  }
0xc3: {  	[dreg:$0x1] =	wrdreg $0xFFFFFFFF  }
0xc4: {  	_ =	task.clear_ibuf [dreg:s8], $0x2FFFF;
	_ =	strace $0x9FFFFFFF  }
0xc5: {  	(tm) =	ssettm $0x7FFFFFFF  }
tec
execute0_lowered:
.L_overlay_start_1:
0x0: {  	(tag) =	ssettag $0x1  }
0x1: {  	s0 =	rddreg [dreg:$0x1]  }
0x2: {  	s1 =	rddreg [dreg:$0x2]  }
0x3: {  	s2 =	rddreg [dreg:$0x3]  }
0x4: {  	s3 =	srdreg.scid;
	s7 =	stileid.u32;
	s12 =	simm.s32 $0x1  }
0x5: {  	s5 =	sand.u32 $0x1, s3;
	s3 =	simm.s32 $0x0;
	s6 =	sshll.u32 s7, $0x1  }
0x6: {  	p0 =	slt.u32 s7, $0x7;
	s13 =	smul.u32 $0x30, s7;
	s30 =	sadd.s32 $0x186800, s1  }
0x7: {  	s31 =	sshrl.u32 s2, $0x3;
	s4 =	ssub.s32 $0x2, s5;
	[smem:$0x7FF] =	sst s3  }
0x8: {  	s9 =	sor.u32 s5, s6;
	s6 =	simm.s32 $0x19;
	s15 =	smul.u32 $0x18, s5  }
0x9: {  	s8 =	sshrl.u32 s4, $0x1;
	_ =	strace $0x80000047;
	s21 =	smul.u32 $0x18, s9  }
0xa: {  	s10 =	smin.u32 s9, $0xE;
	s6 =	simm.s32 @!p0 $0x18;
	[dreg:$0xa] =	wrdreg s30  }
0xb: {  	p0 =	seq.s32 s9, $0x1F;
	s22 =	sadd.s32 $0xFFFFFFF2, s9;
	[dreg:$0xc] =	wrdreg s31  }
0xc: {  	s8 =	ssub.s32 s4, s8;
	s12 =	simm.s32 @!p0 $0x0;
	s24 =	sadd.s32 s15, s13  }
0xd: {  	p1 =	sgt.u32 s22, $0x10;
	s11 =	sadd.s32 s10, s21;
	s5 =	ssub.s32 s6, s12  }
0xe: {  	s26 =	sadd.s32 s10, s24;
	s8 =	smax.u32 s8, $0x1;
	p0 =	sne.s32 @p1 s9, $0x1F  }
0xf: {  	s14 =	sshll.u32 s11, $0x4;
	s11 =	sshll.u32 s11, $0xB;
	[dreg:$0xb] =	wrdreg s8  }
0x10: {  	p3 =	por p0, !p1;
	s6 =	sadd.s32 s0, s14;
	s0 =	sadd.s32 $0x2F60, s0  }
0x11: {  	s23 =	sadd.s32 s1, s11;
	[dreg:$0x6] =	wrdreg s0;
	s0 =	sshll.u32 s26, $0xB  }
0x12: {  	p0 =	sne.s32 s7, $0x0;
	s25 =	sadd.s32 $0x800, s23;
	s0 =	sadd.s32 s0, s1  }
0x13: {  	[dreg:$0x5] =	wrdreg s23;
	s14 =	sadd.s32 $0x2000, s0;
	s13 =	sadd.s32 $0x3800, s0  }
0x14: {  	s16 =	sadd.s32 $0x3000, s0;
	s17 =	sadd.s32 $0x2800, s0;
	s0 =	simm.s32 @!p0 $0x0  }
0x15: {  	p2 =	sgt.u32 s7, $0x6;
	[dreg:$0x7] =	wrdreg s25;
	s0 =	simm.s32 @p0 $0x1  }
0x16: {  	s28 =	sadd.s32 $0x1000, s23;
	[smem:$0x7FB] =	sst s0;
	s0 =	simm.s32 @!p2 $0x0  }
0x17: {  	p4 =	sne.s32 s9, $0x1F;
	[dreg:$0x8] =	wrdreg s28;
	s0 =	simm.s32 @p2 $0x1  }
0x18: {  	s29 =	sadd.s32 $0x1800, s23;
	[smem:$0x7FC] =	sst s0;
	s0 =	simm.s32 @!p1 $0x0  }
0x19: {  	s4 =	simm.s32 $0x1;
	[dreg:$0x9] =	wrdreg s29;
	s0 =	simm.s32 @p1 $0x1  }
0x1a: {  	s21 =	simm.s32 $0x80;
	s26 =	simm.s32 $0x0;
	[smem:$0x7FD] =	sst s0  }
.LBB2_1:
0x1b: {  	s31 =	sld [smem:$0x7FB]  }
0x1c: {  	s7 =	simm.s32 @!p2 $0x0;
	s8 =	simm.s32 @!p2 $0x1F40  }
0x1d: {  	[tilespmem:s8], [sflag:$0x1] =	stream.linear.gather @!p2 [hbm4b:s6+s7], $0xC80, $0x38;
	[tilespmem:$0x13BC0] =	vst v63  }
0x1e: {  	p0 =	seq.s32 s31, $0x1  }
.Ltmp0:
0x1f: {  	_ = 	snop;
	(pc) =	sbr.rel @!p0 .LBB2_2-.Ltmp0, $4  }
0x20: {  	s0 =	rddreg [dreg:$0x6];
	s7 =	simm.s32 @!p3 $0x0;
	s8 =	simm.s32 @!p3 $0x1F40  }
0x21: {  	[tilespmem:s8], [sflag:$0x1] =	stream.linear.gather @!p3 [hbm4b:s0+s7], $0xBA0, $0x38;
	[tilespmem:$0x13BC0] =	vst v63  }
0x22: {  	s7 =	simm.s32 @!p1 $0x0;
	s8 =	simm.s32 @!p1 $0x1F40  }
0x23: {  	[tilespmem:s8], [sflag:$0x1] =	stream.linear.gather @!p1 [hbm4b:s6+s7], $0xC00, $0x38;
	[tilespmem:$0x13BC0] =	vst v63  }
.Ltmp1:
0x24: {  	(pc) =	sbr.rel @p2 .LBB2_5-.Ltmp1, $4  }
.Ltmp2:
0x25: {  	(pc) =	sbr.rel @!p2 .LBB2_4-.Ltmp2, $4  }
0x26: {  	_ = 	snop  }
0x27: {  	_ = 	snop  }
0x28: {  	_ = 	snop  }
0x29: {  	_ = 	snop  }
.LBB2_2:
0x2a: {  	s0 =	rddreg [dreg:$0x0]  }
0x2b: {  	s1 =	rddreg [dreg:$0xc];
	s7 =	simm.s32 $0x1C09;
	s31 =	simm.s32 $0x9  }
0x2c: {  	[spmem:s1], [sflag:s7] =	dma.local [hbm:s0], $0x3E80  }
0x2d: {  	_ =	swait.ge [sflag:s31], $0x3E80  }
0x2e: {  	[sflag:s31] =	ssyncset.done $0x0  }
0x2f: {  	[sflag:s31] =	ssyncadd.s32 $0xFFFFC180  }
.LBB2_4:
0x30: {  	_ =	swait.ge [sflag:s4], $0xC80  }
0x31: {  	[sflag:s4] =	ssyncset.done $0x0  }
0x32: {  	[sflag:s4] =	ssyncadd.s32 $0xFFFFF380  }
.LBB2_5:
0x33: {  	s7 =	simm.s32 @!p3 $0x1  }
0x34: {  	_ =	swait.ge @!p3 [sflag:s7], $0xBA0  }
0x35: {  	[sflag:s7] =	ssyncset.done @!p3 $0x0  }
0x36: {  	[sflag:s7] =	ssyncadd.s32 @!p3 $0xFFFFF460;
	s7 =	simm.s32 @!p1 $0x1  }
0x37: {  	_ =	swait.ge @!p1 [sflag:s7], $0xC00  }
0x38: {  	[sflag:s7] =	ssyncset.done @!p1 $0x0  }
0x39: {  	[sflag:s7] =	ssyncadd.s32 @!p1 $0xFFFFF400  }
0x3a: {  	s0 =	simm.s32 $0x1F40;
	s1 =	simm.s32 $0x2BC0;
	[bflag:$0x0] =	sbarrier.arrive $0xFFFF  }
0x3b: {  	[tilespmem:s1], [sflag:$0x1] =	stream.indirect.gather [spmem:s2], $0x80, s0, s21, $0xb8;
	[tilespmem:$0x13BC0] =	vst v63  }
0x3c: {  	s12 =	simm.s32 $0x1FC0;
	s15 =	simm.s32 $0x6BC0  }
0x3d: {  	[tilespmem:s15], [sflag:$0x2] =	stream.indirect.gather [spmem:s2], $0x80, s12, s21, $0xb8;
	[tilespmem:$0x13BC0] =	vst v63  }
0x3e: {  	s18 =	simm.s32 $0x2040;
	s8 =	simm.s32 $0xABC0  }
0x3f: {  	[tilespmem:s8], [sflag:$0x3] =	stream.indirect.gather [spmem:s2], $0x80, s18, s21, $0xb8;
	[tilespmem:$0x13BC0] =	vst v63  }
0x40: {  	s19 =	simm.s32 $0x20C0;
	s9 =	simm.s32 $0xEBC0  }
0x41: {  	[tilespmem:s9], [sflag:$0x4] =	stream.indirect.gather [spmem:s2], $0x80, s19, s21, $0xb8;
	[tilespmem:$0x13BC0] =	vst v63  }
0x42: {  	_ =	swait.ge [sflag:s4], $0x4000  }
0x43: {  	[sflag:s4] =	ssyncset.done $0x0  }
0x44: {  	s22 =	simm.s32 $0x2;
	s20 =	rddreg [dreg:$0x5];
	[sflag:s4] =	ssyncadd.s32 $0xFFFFC000  }
0x45: {  	[hbm4b:s20+s3] =	stream.linear.scatter [tilespmem:s1], [sflag:$0x5], $0x4000, $0x38;
	[tilespmem:$0x13BC0] =	vst v63  }
0x46: {  	_ =	swait.ge [sflag:s22], $0x4000  }
0x47: {  	[sflag:s22] =	ssyncset.done $0x0  }
0x48: {  	s24 =	simm.s32 $0x3;
	s23 =	rddreg [dreg:$0x7];
	[sflag:s22] =	ssyncadd.s32 $0xFFFFC000  }
0x49: {  	[hbm4b:s23+s3] =	stream.linear.scatter [tilespmem:s15], [sflag:$0x6], $0x4000, $0x38;
	[tilespmem:$0x13BC0] =	vst v63  }
0x4a: {  	_ =	swait.ge [sflag:s24], $0x4000  }
0x4b: {  	[sflag:s24] =	ssyncset.done $0x0  }
0x4c: {  	s30 =	simm.s32 $0x4;
	s25 =	rddreg [dreg:$0x8];
	[sflag:s24] =	ssyncadd.s32 $0xFFFFC000  }
0x4d: {  	[hbm4b:s25+s3] =	stream.linear.scatter [tilespmem:s8], [sflag:$0x7], $0x4000, $0x38;
	[tilespmem:$0x13BC0] =	vst v63  }
0x4e: {  	_ =	swait.ge [sflag:s30], $0x4000  }
0x4f: {  	p1 =	sle.u32 s5, $0x4;
	[sflag:s30] =	ssyncset.done $0x0  }
0x50: {  	s7 =	simm.s32 @!p1 $0x5;
	s31 =	rddreg [dreg:$0x9];
	[sflag:s30] =	ssyncadd.s32 $0xFFFFC000  }
0x51: {  	[hbm4b:s31+s3] =	stream.linear.scatter [tilespmem:s9], [sflag:$0x8], $0x4000, $0x38;
	[tilespmem:$0x13BC0] =	vst v63  }
0x52: {  	p2 =	sle.u32 s5, $0x5;
	_ =	swait.ge @!p1 [sflag:s7], $0x4000  }
0x53: {  	s10 =	simm.s32 @!p1 $0x80;
	s8 =	simm.s32 $0x2140;
	[sflag:s7] =	ssyncset.done @!p1 $0x0  }
0x54: {  	s9 =	simm.s32 @!p1 $0x2BC0;
	[sflag:s7] =	ssyncadd.s32 @!p1 $0xFFFFC000;
	s7 =	simm.s32 @!p2 $0x6  }
0x55: {  	[tilespmem:s9], [sflag:$0x1] =	stream.indirect.gather @!p1 [spmem:s2], $0x80, s8, s10, $0xb8;
	[tilespmem:$0x13BC0] =	vst v63  }
0x56: {  	p0 =	sle.u32 s5, $0x6;
	_ =	swait.ge @!p2 [sflag:s7], $0x4000  }
0x57: {  	s11 =	simm.s32 @!p0 $0x7;
	s8 =	simm.s32 @!p2 $0x6BC0;
	[sflag:s7] =	ssyncset.done @!p2 $0x0  }
0x58: {  	s10 =	simm.s32 @!p2 $0x21C0;
	[sflag:s7] =	ssyncadd.s32 @!p2 $0xFFFFC000;
	s7 =	simm.s32 @!p2 $0x80  }
0x59: {  	[tilespmem:s8], [sflag:$0x2] =	stream.indirect.gather @!p2 [spmem:s2], $0x80, s10, s7, $0xb8;
	[tilespmem:$0x13BC0] =	vst v63  }
0x5a: {  	p6 =	sle.u32 s5, $0x7;
	_ =	swait.ge @!p0 [sflag:s11], $0x4000  }
0x5b: {  	s12 =	simm.s32 @!p0 $0x80;
	s7 =	simm.s32 @!p0 $0xABC0;
	[sflag:s11] =	ssyncset.done @!p0 $0x0  }
0x5c: {  	s10 =	simm.s32 @!p0 $0x2240;
	[sflag:s11] =	ssyncadd.s32 @!p0 $0xFFFFC000;
	s11 =	simm.s32 @!p6 $0x8  }
0x5d: {  	[tilespmem:s7], [sflag:$0x3] =	stream.indirect.gather @!p0 [spmem:s2], $0x80, s10, s12, $0xb8;
	[tilespmem:$0x13BC0] =	vst v63  }
0x5e: {  	_ =	swait.ge @!p6 [sflag:s11], $0x4000  }
0x5f: {  	s23 =	simm.s32 @!p6 $0xEBC0;
	s15 =	simm.s32 @!p1 $0x1;
	[sflag:s11] =	ssyncset.done @!p6 $0x0  }
0x60: {  	s10 =	simm.s32 @!p6 $0x80;
	s12 =	simm.s32 @!p6 $0x22C0;
	[sflag:s11] =	ssyncadd.s32 @!p6 $0xFFFFC000  }
0x61: {  	[tilespmem:s23], [sflag:$0x4] =	stream.indirect.gather @!p6 [spmem:s2], $0x80, s12, s10, $0xb8;
	[tilespmem:$0x13BC0] =	vst v63  }
0x62: {  	_ =	swait.ge @!p1 [sflag:s15], $0x4000  }
0x63: {  	[sflag:s15] =	ssyncset.done @!p1 $0x0  }
0x64: {  	s11 =	simm.s32 @!p2 $0x2;
	s10 =	simm.s32 @!p1 $0x0;
	[sflag:s15] =	ssyncadd.s32 @!p1 $0xFFFFC000  }
0x65: {  	[hbm4b:s14+s10] =	stream.linear.scatter @!p1 [tilespmem:s9], [sflag:$0x5], $0x4000, $0x38;
	[tilespmem:$0x13BC0] =	vst v63  }
0x66: {  	_ =	swait.ge @!p2 [sflag:s11], $0x4000  }
0x67: {  	s29 =	sadd.s32 $0x2000, s13;
	[sflag:s11] =	ssyncset.done @!p2 $0x0  }
0x68: {  	s9 =	simm.s32 @!p2 $0x0;
	s10 =	simm.s32 @!p0 $0x3;
	[sflag:s11] =	ssyncadd.s32 @!p2 $0xFFFFC000  }
0x69: {  	[hbm4b:s17+s9] =	stream.linear.scatter @!p2 [tilespmem:s8], [sflag:$0x6], $0x4000, $0x38;
	[tilespmem:$0x13BC0] =	vst v63  }
0x6a: {  	p5 =	sle.u32 s5, $0x8;
	s28 =	simm.s32 @!p6 $0x0;
	_ =	swait.ge @!p0 [sflag:s10], $0x4000  }
0x6b: {  	s20 =	sadd.s32 $0x2000, s16;
	s12 =	simm.s32 $0xF;
	[sflag:s10] =	ssyncset.done @!p0 $0x0  }
0x6c: {  	s15 =	smov.u32 s13;
	s9 =	simm.s32 @!p0 $0x0;
	[sflag:s10] =	ssyncadd.s32 @!p0 $0xFFFFC000  }
0x6d: {  	[hbm4b:s16+s9] =	stream.linear.scatter @!p0 [tilespmem:s7], [sflag:$0x7], $0x4000, $0x38;
	[tilespmem:$0x13BC0] =	vst v63  }
0x6e: {  	s11 =	simm.s32 $0xB;
	s8 =	sadd.s32 $0x2000, s17;
	s7 =	simm.s32 @!p6 $0x4  }
0x6f: {  	s10 =	simm.s32 $0x2340;
	s9 =	sadd.s32 $0x2000, s14;
	_ =	swait.ge @!p6 [sflag:s7], $0x4000  }
.LBB2_6:
0x70: {  	s31 =	simm.s32 @!p5 $0x5;
	[sflag:s7] =	ssyncset.done @!p6 $0x0;
	s0 =	smov.u32 s12  }
0x71: {  	s12 =	sadd.s32 $0x4, s12;
	s30 =	smov.u32 s8;
	s25 =	smov.u32 s20  }
0x72: {  	p0 =	sne.s32 s12, $0x1F;
	[sflag:s7] =	ssyncadd.s32 @!p6 $0xFFFFC000  }
0x73: {  	[hbm4b:s15+s28] =	stream.linear.scatter @!p6 [tilespmem:s23], [sflag:$0x8], $0x4000, $0x38;
	[tilespmem:$0x13BC0] =	vst v63  }
0x74: {  	s7 =	simm.s32 @!p5 $0x2BC0;
	s15 =	sadd.s32 $0xFFFFFFFE, s11;
	_ =	swait.ge @!p5 [sflag:s31], $0x4000  }
0x75: {  	s23 =	simm.s32 @!p5 $0x80;
	p2 =	sge.u32 s15, s5;
	[sflag:s31] =	ssyncset.done @!p5 $0x0  }
0x76: {  	s15 =	smov.u32 s29;
	s28 =	simm.s32 @!p2 $0x6;
	[sflag:s31] =	ssyncadd.s32 @!p5 $0xFFFFC000  }
0x77: {  	[tilespmem:s7], [sflag:$0x1] =	stream.indirect.gather @!p5 [spmem:s2], $0x80, s10, s23, $0xb8;
	[tilespmem:$0x13BC0] =	vst v63  }
0x78: {  	s31 =	simm.s32 @!p2 $0x6BC0;
	s23 =	sadd.s32 $0xFFFFFFFF, s11;
	_ =	swait.ge @!p2 [sflag:s28], $0x4000  }
0x79: {  	s1 =	sadd.s32 @!p2 $0x80, s10;
	p1 =	sge.u32 s23, s5;
	[sflag:s28] =	ssyncset.done @!p2 $0x0  }
0x7a: {  	s23 =	simm.s32 @!p2 $0x80;
	[sflag:s28] =	ssyncadd.s32 @!p2 $0xFFFFC000;
	s28 =	simm.s32 @!p1 $0x7  }
0x7b: {  	[tilespmem:s31], [sflag:$0x2] =	stream.indirect.gather @!p2 [spmem:s2], $0x80, s1, s23, $0xb8;
	[tilespmem:$0x13BC0] =	vst v63  }
0x7c: {  	p6 =	sge.u32 s11, s5;
	s1 =	simm.s32 @!p1 $0xABC0;
	_ =	swait.ge @!p1 [sflag:s28], $0x4000  }
0x7d: {  	s11 =	sadd.s32 @!p1 $0x100, s10;
	s23 =	simm.s32 @!p1 $0x80;
	[sflag:s28] =	ssyncset.done @!p1 $0x0  }
0x7e: {  	s19 =	simm.s32 @!p6 $0x8;
	[sflag:s28] =	ssyncadd.s32 @!p1 $0xFFFFC000;
	s28 =	simm.s32 @!p6 $0x0  }
0x7f: {  	[tilespmem:s1], [sflag:$0x3] =	stream.indirect.gather @!p1 [spmem:s2], $0x80, s11, s23, $0xb8;
	[tilespmem:$0x13BC0] =	vst v63  }
0x80: {  	s18 =	simm.s32 @!p6 $0x80;
	s23 =	simm.s32 @!p6 $0xEBC0;
	_ =	swait.ge @!p6 [sflag:s19], $0x4000  }
0x81: {  	s24 =	simm.s32 @!p5 $0x1;
	s22 =	sadd.s32 @!p6 $0x180, s10;
	[sflag:s19] =	ssyncset.done @!p6 $0x0  }
0x82: {  	s11 =	smov.u32 s0;
	[sflag:s19] =	ssyncadd.s32 @!p6 $0xFFFFC000  }
0x83: {  	[tilespmem:s23], [sflag:$0x4] =	stream.indirect.gather @!p6 [spmem:s2], $0x80, s22, s18, $0xb8;
	[tilespmem:$0x13BC0] =	vst v63  }
0x84: {  	_ =	swait.ge @!p5 [sflag:s24], $0x4000  }
0x85: {  	s0 =	simm.s32 @!p5 $0x0;
	[sflag:s24] =	ssyncset.done @!p5 $0x0  }
0x86: {  	s18 =	simm.s32 @!p2 $0x2;
	[sflag:s24] =	ssyncadd.s32 @!p5 $0xFFFFC000  }
0x87: {  	[hbm4b:s9+s0] =	stream.linear.scatter @!p5 [tilespmem:s7], [sflag:$0x5], $0x4000, $0x38;
	[tilespmem:$0x13BC0] =	vst v63  }
0x88: {  	_ =	swait.ge @!p2 [sflag:s18], $0x4000  }
0x89: {  	s8 =	sadd.s32 $0x2000, s8;
	s0 =	simm.s32 @!p2 $0x0;
	[sflag:s18] =	ssyncset.done @!p2 $0x0  }
0x8a: {  	s20 =	sadd.s32 $0x2000, s20;
	s7 =	simm.s32 @!p1 $0x3;
	[sflag:s18] =	ssyncadd.s32 @!p2 $0xFFFFC000  }
0x8b: {  	[hbm4b:s30+s0] =	stream.linear.scatter @!p2 [tilespmem:s31], [sflag:$0x6], $0x4000, $0x38;
	[tilespmem:$0x13BC0] =	vst v63  }
.Ltmp3:
0x8c: {  	s29 =	sadd.s32 $0x2000, s29;
	_ =	swait.ge @!p1 [sflag:s7], $0x4000;
	(pc) =	sbr.rel @p0 .LBB2_6-.Ltmp3, $4  }
0x8d: {  	s9 =	sadd.s32 $0x2000, s9;
	s0 =	simm.s32 @!p1 $0x0;
	[sflag:s7] =	ssyncset.done @!p1 $0x0  }
0x8e: {  	s18 =	sadd.s32 $0xFFFFFFFD, s11;
	[sflag:s7] =	ssyncadd.s32 @!p1 $0xFFFFC000;
	s7 =	simm.s32 @!p6 $0x4  }
0x8f: {  	[hbm4b:s25+s0] =	stream.linear.scatter @!p1 [tilespmem:s1], [sflag:$0x7], $0x4000, $0x38;
	[tilespmem:$0x13BC0] =	vst v63  }
0x90: {  	s10 =	sadd.s32 $0x200, s10;
	p5 =	sge.u32 s18, s5;
	_ =	swait.ge @!p6 [sflag:s7], $0x4000  }
0x91: {  	[sflag:s7] =	ssyncset.done @!p6 $0x0  }
0x92: {  	s0 =	simm.s32 @!p5 $0x5;
	[sflag:s7] =	ssyncadd.s32 @!p6 $0xFFFFC000  }
0x93: {  	[hbm4b:s15+s28] =	stream.linear.scatter @!p6 [tilespmem:s23], [sflag:$0x8], $0x4000, $0x38;
	[tilespmem:$0x13BC0] =	vst v63  }
0x94: {  	s1 =	sadd.s32 $0xFFFFFFFE, s11;
	s12 =	sadd.s32 $0xFFFFFFFF, s11;
	_ =	swait.ge @!p5 [sflag:s0], $0x4000  }
0x95: {  	s7 =	simm.s32 @!p5 $0x2BC0;
	p0 =	sge.u32 s1, s5;
	[sflag:s0] =	ssyncset.done @!p5 $0x0  }
0x96: {  	s1 =	simm.s32 @!p5 $0x80;
	[sflag:s0] =	ssyncadd.s32 @!p5 $0xFFFFC000;
	s0 =	simm.s32 @!p0 $0x6  }
0x97: {  	[tilespmem:s7], [sflag:$0x1] =	stream.indirect.gather @!p5 [spmem:s2], $0x80, s10, s1, $0xb8;
	[tilespmem:$0x13BC0] =	vst v63  }
0x98: {  	p1 =	sge.u32 s12, s5;
	_ =	swait.ge @!p0 [sflag:s0], $0x4000  }
0x99: {  	s15 =	sadd.s32 @!p0 $0x80, s10;
	s12 =	simm.s32 @!p1 $0x7;
	[sflag:s0] =	ssyncset.done @!p0 $0x0  }
0x9a: {  	s1 =	simm.s32 @!p0 $0x6BC0;
	[sflag:s0] =	ssyncadd.s32 @!p0 $0xFFFFC000;
	s0 =	simm.s32 @!p0 $0x80  }
0x9b: {  	[tilespmem:s1], [sflag:$0x2] =	stream.indirect.gather @!p0 [spmem:s2], $0x80, s15, s0, $0xb8;
	[tilespmem:$0x13BC0] =	vst v63  }
0x9c: {  	p2 =	sge.u32 s11, s5;
	_ =	swait.ge @!p1 [sflag:s12], $0x4000  }
0x9d: {  	s11 =	sadd.s32 @!p1 $0x100, s10;
	s0 =	simm.s32 @!p1 $0xABC0;
	[sflag:s12] =	ssyncset.done @!p1 $0x0  }
0x9e: {  	s15 =	simm.s32 @!p1 $0x80;
	[sflag:s12] =	ssyncadd.s32 @!p1 $0xFFFFC000;
	s12 =	simm.s32 @!p2 $0x8  }
0x9f: {  	[tilespmem:s0], [sflag:$0x3] =	stream.indirect.gather @!p1 [spmem:s2], $0x80, s11, s15, $0xb8;
	[tilespmem:$0x13BC0] =	vst v63  }
0xa0: {  	_ =	swait.ge @!p2 [sflag:s12], $0x4000  }
0xa1: {  	s18 =	simm.s32 @!p5 $0x1;
	s10 =	sadd.s32 @!p2 $0x180, s10;
	[sflag:s12] =	ssyncset.done @!p2 $0x0  }
0xa2: {  	s11 =	simm.s32 @!p2 $0x80;
	s15 =	simm.s32 @!p2 $0xEBC0;
	[sflag:s12] =	ssyncadd.s32 @!p2 $0xFFFFC000  }
0xa3: {  	[tilespmem:s15], [sflag:$0x4] =	stream.indirect.gather @!p2 [spmem:s2], $0x80, s10, s11, $0xb8;
	[tilespmem:$0x13BC0] =	vst v63  }
0xa4: {  	_ =	swait.ge @!p5 [sflag:s18], $0x4000  }
0xa5: {  	[sflag:s18] =	ssyncset.done @!p5 $0x0  }
0xa6: {  	s10 =	simm.s32 @!p5 $0x0;
	s11 =	simm.s32 @!p0 $0x2;
	[sflag:s18] =	ssyncadd.s32 @!p5 $0xFFFFC000  }
0xa7: {  	[hbm4b:s9+s10] =	stream.linear.scatter @!p5 [tilespmem:s7], [sflag:$0x5], $0x4000, $0x38;
	[tilespmem:$0x13BC0] =	vst v63  }
0xa8: {  	_ =	swait.ge @!p0 [sflag:s11], $0x4000  }
0xa9: {  	[sflag:s11] =	ssyncset.done @!p0 $0x0  }
0xaa: {  	s7 =	simm.s32 @!p0 $0x0;
	s9 =	simm.s32 @!p1 $0x3;
	[sflag:s11] =	ssyncadd.s32 @!p0 $0xFFFFC000  }
0xab: {  	[hbm4b:s8+s7] =	stream.linear.scatter @!p0 [tilespmem:s1], [sflag:$0x6], $0x4000, $0x38;
	[tilespmem:$0x13BC0] =	vst v63  }
0xac: {  	_ =	swait.ge @!p1 [sflag:s9], $0x4000  }
0xad: {  	[sflag:s9] =	ssyncset.done @!p1 $0x0  }
0xae: {  	s1 =	simm.s32 @!p1 $0x0;
	s7 =	simm.s32 @!p2 $0x4;
	[sflag:s9] =	ssyncadd.s32 @!p1 $0xFFFFC000  }
0xaf: {  	[hbm4b:s20+s1] =	stream.linear.scatter @!p1 [tilespmem:s0], [sflag:$0x7], $0x4000, $0x38;
	[tilespmem:$0x13BC0] =	vst v63  }
0xb0: {  	_ =	swait.ge @!p2 [sflag:s7], $0x4000  }
0xb1: {  	[sflag:s7] =	ssyncset.done @!p2 $0x0  }
0xb2: {  	s23 =	simm.s32 $0x5;
	s0 =	simm.s32 @!p2 $0x0;
	[sflag:s7] =	ssyncadd.s32 @!p2 $0xFFFFC000  }
0xb3: {  	[hbm4b:s29+s0] =	stream.linear.scatter @!p2 [tilespmem:s15], [sflag:$0x8], $0x4000, $0x38;
	[tilespmem:$0x13BC0] =	vst v63  }
0xb4: {  	_ =	swait.ge [sflag:s23], $0x4000  }
0xb5: {  	[sflag:s23] =	ssyncset.done $0x0  }
0xb6: {  	s24 =	simm.s32 $0x6;
	[sflag:s23] =	ssyncadd.s32 $0xFFFFC000  }
0xb7: {  	_ =	swait.ge [sflag:s24], $0x4000  }
0xb8: {  	[sflag:s24] =	ssyncset.done $0x0  }
0xb9: {  	s25 =	simm.s32 $0x7;
	[sflag:s24] =	ssyncadd.s32 $0xFFFFC000  }
0xba: {  	_ =	swait.ge [sflag:s25], $0x4000  }
0xbb: {  	[sflag:s25] =	ssyncset.done $0x0  }
0xbc: {  	s28 =	simm.s32 $0x8;
	[sflag:s25] =	ssyncadd.s32 $0xFFFFC000  }
0xbd: {  	_ =	swait.ge [sflag:s28], $0x4000  }
0xbe: {  	s1 =	simm.s32 @!p4 $0x2AC0;
	[sflag:s28] =	ssyncset.done $0x0  }
0xbf: {  	s7 =	simm.s32 @!p4 $0x12BC0;
	s0 =	simm.s32 @!p4 $0x20;
	[sflag:s28] =	ssyncadd.s32 $0xFFFFC000  }
0xc0: {  	[tilespmem:s7], [sflag:$0x1] =	stream.indirect.gather @!p4 [spmem:s2], $0x80, s1, s0, $0xb8;
	[tilespmem:$0x13BC0] =	vst v63  }
0xc1: {  	s0 =	simm.s32 @!p4 $0x1  }
0xc2: {  	_ =	swait.ge @!p4 [sflag:s0], $0x1000  }
0xc3: {  	[sflag:s0] =	ssyncset.done @!p4 $0x0  }
0xc4: {  	s1 =	rddreg [dreg:$0xa];
	[sflag:s0] =	ssyncadd.s32 @!p4 $0xFFFFF000;
	s0 =	simm.s32 @!p4 $0x0  }
0xc5: {  	[hbm4b:s1+s0] =	stream.linear.scatter @!p4 [tilespmem:s7], [sflag:$0x9], $0x1000, $0x38;
	[tilespmem:$0x13BC0] =	vst v63  }
0xc6: {  	s0 =	simm.s32 @!p4 $0x9  }
0xc7: {  	_ =	swait.ge @!p4 [sflag:s0], $0x1000  }
0xc8: {  	s26 =	sadd.s32 $0x1, s26;
	s29 =	rddreg [dreg:$0xb]  }
0xc9: {  	p0 =	sne.s32 s26, s29  }
.Ltmp4:
0xca: {  	s30 =	sld [smem:$0x7FD];
	(pc) =	sbr.rel @p0 .LBB2_1-.Ltmp4, $3  }
0xcb: {  	s31 =	sld [smem:$0x7FC];
	_ =	sdelay $0x1  }
0xcc: {  	[sflag:s0] =	ssyncset.done @!p4 $0x0  }
0xcd: {  	[sflag:s0] =	ssyncadd.s32 @!p4 $0xFFFFF000;
	p1 =	seq.s32 s30, $0x1;
	p2 =	seq.s32 s31, $0x1  }
0xce: {  	_ =	sfence.sel $0x180000  }
0xcf: {  	[bflag:$0x0] =	sbarrier.arrive $0xFFFF  }
0xd0: {  	_ =	strace $0x90000047  }
0xd1: {  	[bflag:$0x2] =	sbarrier.arrive $0xFFFF  }
0xd2: {  	s1 =	sld [smem:$0x7FB];
	_ =	sdelay $0x2  }
0xd3: {  	s0 =	rddreg [dreg:$0x4];
	p0 =	seq.s32 s1, $0x1  }
0xd4: {  	s0 =	sadd.s32 @!p0 $0x100000, s0  }
0xd5: {  	[sflag:s0] =	ssyncadd.tile.s32 @!p0 $0x1;
	_ =	shalt  }
.Lfunc_end2:
_tile_overlayer_lowered:
.L_overlay_start_2:
0xd6: {  	(tag) =	ssettag $0x2  }
0xd7: {  	s0 =	rddreg [dreg:$0x0];
	s2 =	stileid.u32  }
0xd8: {  	s1 =	rddreg [dreg:$0x1];
	p0 =	sne.s32 s2, $0x0  }
0xd9: {  	s3 =	rddreg [dreg:$0x2];
	[bflag:$0x3] =	sbarrier.arrive $0xFFFF;
	s2 =	simm.s32 @!p0 $0x1C09  }
0xda: {  	[timem:s3], [sflag:s2] =	dma.local @!p0 [hbm:s0], s1  }
0xdb: {  	s0 =	simm.s32 @!p0 $0x9  }
0xdc: {  	_ =	swait.ge @!p0 [sflag:s0], s1  }
0xdd: {  	s1 =	ssub.s32 @!p0 $0x0, s1;
	[sflag:s0] =	ssyncset.done @!p0 $0x0  }
0xde: {  	[sflag:s0] =	ssyncadd.s32 @!p0 s1  }
0xdf: {  	[bflag:$0x3] =	sbarrier.arrive $0xFFFF  }
0xe0: {  	_ =	shalt  }

</sc_bundles>
